<compile_context>
chip_gen: v7x
topology: tpu7x:2x2x1
jax: 0.10.2.dev20260603
libtpu: 0.0.44.dev20260713+nightly
codegen_flags: <defaults>
</compile_context>

<pallas_src>
import jax
import jax.numpy as jnp
from jax import lax
from jax.experimental import pallas as pl
from jax.experimental.pallas import tpu as pltpu
from jax.experimental.pallas import tpu_sc as plsc

_N = 10000
_E = 320000
_D = 128
_B = 1024

_NC = 2
_NS = 16
_NW = _NC * _NS
_EPW = _E // _NW
_NP = 10240
_RPT = _NP // _NS

_SS_CH = 100
_SS_K = _EPW // _SS_CH

_HG_PW = 2 * _B // _NW

_sc_mesh = plsc.VectorSubcoreMesh(core_axis_name="c", subcore_axis_name="s")


def _segsum_body(x_hbm, src_hbm, dst_hbm, z_hbm, out_hbm,
                 src_v, dst_v, rows_v, acc_sh, sem):
    c = lax.axis_index("c")
    s = lax.axis_index("s")
    wid = c * _NS + s
    pltpu.sync_copy(src_hbm.at[wid], src_v)
    pltpu.sync_copy(dst_hbm.at[wid], dst_v)
    pltpu.sync_copy(z_hbm, acc_sh.at[pl.ds(s * _RPT, _RPT)])
    plsc.subcore_barrier()

    def chunk(j, carry):
        pltpu.async_copy(x_hbm.at[src_v.at[j]], rows_v, sem).wait()
        pltpu.sync_copy(rows_v, acc_sh.at[dst_v.at[j]], add=True)
        return carry

    lax.fori_loop(0, _SS_K, chunk, 0)
    plsc.subcore_barrier()
    pltpu.sync_copy(acc_sh.at[pl.ds(s * _RPT, _RPT)],
                    out_hbm.at[c, pl.ds(s * _RPT, _RPT)])


_segsum_call = pl.kernel(
    _segsum_body,
    out_type=jax.ShapeDtypeStruct((_NC, _NP, _D), jnp.float32),
    mesh=_sc_mesh,
    scratch_types=[
        pltpu.VMEM((_SS_K, _SS_CH), jnp.int32),
        pltpu.VMEM((_SS_K, _SS_CH), jnp.int32),
        pltpu.VMEM((_SS_CH, _D), jnp.float32),
        pltpu.VMEM_SHARED((_NP, _D), jnp.float32),
        pltpu.SemaphoreType.DMA,
    ],
)


def _hgather_body(x_hbm, idx_hbm, out_hbm, idx_v, rows_v, sem):
    c = lax.axis_index("c")
    s = lax.axis_index("s")
    wid = c * _NS + s
    pltpu.sync_copy(idx_hbm.at[wid], idx_v)
    pltpu.async_copy(x_hbm.at[idx_v], rows_v, sem).wait()
    pltpu.sync_copy(rows_v, out_hbm.at[pl.ds(wid * _HG_PW, _HG_PW)])


_hgather_call = pl.kernel(
    _hgather_body,
    out_type=jax.ShapeDtypeStruct((2 * _B, _D), jnp.float32),
    mesh=_sc_mesh,
    scratch_types=[
        pltpu.VMEM((_HG_PW,), jnp.int32),
        pltpu.VMEM((_HG_PW, _D), jnp.float32),
        pltpu.SemaphoreType.DMA,
    ],
)


_BLK = 1000


def _layer1_body(nt_ref, cp_ref, emb_ref, ws_ref, wn_ref, b_ref,
                 x_out, inv_out):
    cb = cp_ref[0] + cp_ref[1]
    deg = cb[:, 16:17]
    inv = 1.0 / jnp.maximum(deg, 1.0)
    emb = emb_ref[...]
    onehot = (nt_ref[...] == lax.broadcasted_iota(jnp.int32, (_BLK, _D), 1)
              ).astype(jnp.float32)
    x0 = jnp.dot(onehot, emb, preferred_element_type=jnp.float32)
    mean = jnp.dot(cb, emb, preferred_element_type=jnp.float32) * inv
    out = (jnp.dot(x0, ws_ref[...], preferred_element_type=jnp.float32)
           + jnp.dot(mean, wn_ref[...], preferred_element_type=jnp.float32)
           + b_ref[...])
    x_out[...] = jnp.maximum(out, 0.0)
    inv_out[...] = inv


def _layer1_call(nt2d, cp, emb16, ws, wn, b):
    return pl.pallas_call(
        _layer1_body,
        grid=(_N // _BLK,),
        in_specs=[
            pl.BlockSpec((_BLK, 1), lambda i: (i, 0)),
            pl.BlockSpec((_NC, _BLK, _D), lambda i: (0, i, 0)),
            pl.BlockSpec((_D, _D), lambda i: (0, 0)),
            pl.BlockSpec((_D, _D), lambda i: (0, 0)),
            pl.BlockSpec((_D, _D), lambda i: (0, 0)),
            pl.BlockSpec((1, _D), lambda i: (0, 0)),
        ],
        out_specs=[
            pl.BlockSpec((_BLK, _D), lambda i: (i, 0)),
            pl.BlockSpec((_BLK, 1), lambda i: (i, 0)),
        ],
        out_shape=[
            jax.ShapeDtypeStruct((_N, _D), jnp.float32),
            jax.ShapeDtypeStruct((_N, 1), jnp.float32),
        ],
    )(nt2d, cp, emb16, ws, wn, b)


def _dense_body(x_ref, pp_ref, inv_ref, ws_ref, wn_ref, b_ref, x_out):
    mean = (pp_ref[0] + pp_ref[1]) * inv_ref[...]
    out = (jnp.dot(x_ref[...], ws_ref[...], preferred_element_type=jnp.float32)
           + jnp.dot(mean, wn_ref[...], preferred_element_type=jnp.float32)
           + b_ref[...])
    x_out[...] = jnp.maximum(out, 0.0)


def _dense_call(x, pp, inv, ws, wn, b):
    return pl.pallas_call(
        _dense_body,
        grid=(_N // _BLK,),
        in_specs=[
            pl.BlockSpec((_BLK, _D), lambda i: (i, 0)),
            pl.BlockSpec((_NC, _BLK, _D), lambda i: (0, i, 0)),
            pl.BlockSpec((_BLK, 1), lambda i: (i, 0)),
            pl.BlockSpec((_D, _D), lambda i: (0, 0)),
            pl.BlockSpec((_D, _D), lambda i: (0, 0)),
            pl.BlockSpec((1, _D), lambda i: (0, 0)),
        ],
        out_specs=pl.BlockSpec((_BLK, _D), lambda i: (i, 0)),
        out_shape=jax.ShapeDtypeStruct((_N, _D), jnp.float32),
    )(x, pp, inv, ws, wn, b)


def _head_body(h_ref, w1a_ref, w1b_ref, b1_ref, w2_ref, b2_ref, out_ref):
    h = h_ref[...]
    h0 = h[:_B]
    h1 = h[_B:]
    z = (jnp.dot(h0, w1a_ref[...], preferred_element_type=jnp.float32)
         + jnp.dot(h1, w1b_ref[...], preferred_element_type=jnp.float32)
         + b1_ref[...])
    z = jnp.maximum(z, 0.0)
    out_ref[...] = jnp.dot(z, w2_ref[...],
                           preferred_element_type=jnp.float32) + b2_ref[...]


def _head_call(h, w1a, w1b, b1, w2, b2):
    return pl.pallas_call(
        _head_body,
        out_shape=jax.ShapeDtypeStruct((_B, 1), jnp.float32),
    )(h, w1a, w1b, b1, w2, b2)


def kernel(node_type, edge_type, edge_index, edge_label_index,
           node_emb, edge_emb,
           Ws1, bs1, Wn1, bn1,
           Ws2, bs2, Wn2, bn2,
           Ws3, bs3, Wn3, bn3,
           hW1, hb1, hW2, hb2):
    del edge_type, edge_emb

    src = edge_index[0]
    dst = edge_index[1]
    src_ss = src.reshape(_NW, _SS_K, _SS_CH)
    dst_ss = dst.reshape(_NW, _SS_K, _SS_CH)

    zD = jnp.zeros((_RPT, _D), jnp.float32)
    emb128 = jnp.zeros((_D, _D), jnp.float32).at[:4].set(node_emb)
    nt2d = node_type.reshape(_N, 1)
    col = jnp.arange(_D, dtype=jnp.int32)[None, :]
    t1 = jnp.where(col == nt2d, 1.0, 0.0) + jnp.where(col == 16, 1.0, 0.0)
    t1 = t1.astype(jnp.float32)

    cp = _segsum_call(t1, src_ss, dst_ss, zD)
    x1, inv = _layer1_call(nt2d, cp, emb128,
                           Ws1, Wn1, (bs1 + bn1).reshape(1, _D))

    p2 = _segsum_call(x1, src_ss, dst_ss, zD)
    x2 = _dense_call(x1, p2, inv, Ws2, Wn2, (bs2 + bn2).reshape(1, _D))
    p3 = _segsum_call(x2, src_ss, dst_ss, zD)
    x3 = _dense_call(x2, p3, inv, Ws3, Wn3, (bs3 + bn3).reshape(1, _D))

    h = _hgather_call(x3, edge_label_index.reshape(_NW, _HG_PW))
    out = _head_call(h, hW1[:_D], hW1[_D:], hb1.reshape(1, _D),
                     hW2, hb2.reshape(1, 1))
    return out

# --- scband reference (transcript-rebuilt; emitter-appended) ---
"""Pipeline reference for scband-graph-head-31997506355644 (READ-ONLY COPY).

The authoritative reference and input builder live on the scoring server;
editing this copy changes nothing except your own understanding.
"""

import jax, jax.numpy as jnp
import numpy as np

N = 10000
E = 320000
D = 128
B = 1024


def setup_inputs(seed: int = 0) -> dict:
    key = jax.random.key(seed)
    ks = jax.random.split(key, 24)
    s = 1.0 / np.sqrt(D)
    inp = {
        "node_type": jax.random.randint(ks[0], (N,), 0, 4, dtype=jnp.int32),
        "edge_type": jax.random.randint(ks[1], (E,), 0, 4, dtype=jnp.int32),
        "edge_index": jax.random.randint(ks[2], (2, E), 0, N, dtype=jnp.int32),
        "edge_label_index": jax.random.randint(ks[3], (2, B), 0, N, dtype=jnp.int32),
        "node_emb": jax.random.normal(ks[4], (4, D), dtype=jnp.float32),
        "edge_emb": jax.random.normal(ks[5], (4, D), dtype=jnp.float32),
    }
    i = 6
    for l in (1, 2, 3):
        inp[f"Ws{l}"] = jax.random.normal(ks[i], (D, D), dtype=jnp.float32) * s; i += 1
        inp[f"bs{l}"] = jnp.zeros((D,), jnp.float32)
        inp[f"Wn{l}"] = jax.random.normal(ks[i], (D, D), dtype=jnp.float32) * s; i += 1
        inp[f"bn{l}"] = jnp.zeros((D,), jnp.float32)
    inp["hW1"] = jax.random.normal(ks[i], (2 * D, D), dtype=jnp.float32) * (1.0 / np.sqrt(2 * D)); i += 1
    inp["hb1"] = jnp.zeros((D,), jnp.float32)
    inp["hW2"] = jax.random.normal(ks[i], (D, 1), dtype=jnp.float32) * s; i += 1
    inp["hb2"] = jnp.zeros((1,), jnp.float32)
    return inp


def _sage(x, src, dst, Ws, bs, Wn, bn):
    # PyG SAGEConv with mean aggregation: lin_r(x) + lin_l(mean_{j in N(i)} x_j)
    agg = jax.ops.segment_sum(x[src], dst, num_segments=N)
    deg = jax.ops.segment_sum(jnp.ones((E,), jnp.float32), dst, num_segments=N)
    mean = agg / jnp.maximum(deg, 1.0)[:, None]
    return x @ Ws + bs + mean @ Wn + bn


def reference(node_type, edge_type, edge_index, edge_label_index,
              node_emb, edge_emb,
              Ws1, bs1, Wn1, bn1,
              Ws2, bs2, Wn2, bn2,
              Ws3, bs3, Wn3, bn3,
              hW1, hb1, hW2, hb2):
    # orig_forward with use_cl=use_pe=use_stats=False, use_bn=False, dropout=0 (eval)
    x = node_emb[node_type]
    xe = edge_emb[edge_type]  # computed as in orig_forward; SAGEConv ignores edge attrs
    src, dst = edge_index[0], edge_index[1]
    for (Ws, bs, Wn, bn) in ((Ws1, bs1, Wn1, bn1), (Ws2, bs2, Wn2, bn2), (Ws3, bs3, Wn3, bn3)):
        x = _sage(x, src, dst, Ws, bs, Wn, bn)
        x = jax.nn.relu(x)
    # src_dst_agg == 'concat': gather src/dst node reps for each labelled edge
    h = jnp.concatenate([x[edge_label_index[0]], x[edge_label_index[1]]], axis=1)
    # head MLP (2 layers, relu, no bn, no dropout), dim_out = 1
    h = jax.nn.relu(h @ hW1 + hb1)
    out = h @ hW2 + hb2
    return out

if __name__ == "__main__":
    import jax
    _d = setup_inputs()
    print(jax.jit(kernel)(*tuple(_d.values())))

</pallas_src>

<mosaic_0001>
#map = affine_map<(d0, d1) -> (0, 0)>
module attributes {stable_mosaic.version = 14 : i64} {
  func.func @_hgather_body(%arg0: i32, %arg1: i32, %arg2: memref<10000x128xf32, #tpu.memory_space<hbm>>, %arg3: memref<32x64xi32, #tpu.memory_space<hbm>>, %arg4: memref<2048x128xf32, #tpu.memory_space<hbm>>, %arg5: memref<64xi32, #tpu.memory_space<vmem>>, %arg6: memref<64x128xf32, #tpu.memory_space<vmem>>, %arg7: memref<!tpu.dma_semaphore, #tpu.memory_space<semaphore_mem>>) attributes {dimension_semantics = [#tpu.dimension_semantics<core_parallel>, #tpu.dimension_semantics<subcore_parallel>], iteration_bounds = array<i64: 2, 16>, scalar_prefetch = 0 : i64, scratch_operands = 3 : i64, tpu.core_type = #tpu.core_type<sc_vector_subcore>, window_params = [{transform_indices = #map}, {transform_indices = #map}, {transform_indices = #map}]} {
    %mul3A = arith.constant 16 : i32
    %mul3A_0 = arith.muli %arg0, %mul3A : i32
    %add3A = arith.addi %mul3A_0, %arg1 : i32
    "tpu.region"() ({
      %run_scoped3A = tpu.sem_alloc : memref<!tpu.dma_semaphore, #tpu.memory_space<semaphore_mem>>
      %dma_start3A_7 = arith.constant 0 : i32
      %dma_start3A_8 = tpu.memref_slice %arg3[%add3A, %dma_start3A_7] : memref<32x64xi32, #tpu.memory_space<hbm>> -> memref<1x64xi32, #tpu.memory_space<hbm>>
      %dma_start3A_9 = tpu.memref_squeeze %dma_start3A_8 : memref<1x64xi32, #tpu.memory_space<hbm>> -> memref<64xi32, #tpu.memory_space<hbm>>
      %dma_start3A_10 = arith.constant 0 : i32
      %dma_start3A_11 = tpu.memref_slice %arg3[%add3A, %dma_start3A_10] : memref<32x64xi32, #tpu.memory_space<hbm>> -> memref<1x64xi32, #tpu.memory_space<hbm>>
      %dma_start3A_12 = tpu.memref_squeeze %dma_start3A_11 : memref<1x64xi32, #tpu.memory_space<hbm>> -> memref<64xi32, #tpu.memory_space<hbm>>
      tpu.enqueue_dma source(%dma_start3A_12 : memref<64xi32, #tpu.memory_space<hbm>>) target(%arg5 : memref<64xi32, #tpu.memory_space<vmem>>) target_semaphore(%run_scoped3A : memref<!tpu.dma_semaphore, #tpu.memory_space<semaphore_mem>>)
      %dma_wait3A_13 = arith.constant 0 : i32
      %dma_wait3A_14 = tpu.memref_slice %arg3[%add3A, %dma_wait3A_13] : memref<32x64xi32, #tpu.memory_space<hbm>> -> memref<1x64xi32, #tpu.memory_space<hbm>>
      %dma_wait3A_15 = tpu.memref_squeeze %dma_wait3A_14 : memref<1x64xi32, #tpu.memory_space<hbm>> -> memref<64xi32, #tpu.memory_space<hbm>>
      %dma_wait3A_16 = arith.constant 0 : i32
      %dma_wait3A_17 = tpu.memref_slice %arg3[%add3A, %dma_wait3A_16] : memref<32x64xi32, #tpu.memory_space<hbm>> -> memref<1x64xi32, #tpu.memory_space<hbm>>
      %dma_wait3A_18 = tpu.memref_squeeze %dma_wait3A_17 : memref<1x64xi32, #tpu.memory_space<hbm>> -> memref<64xi32, #tpu.memory_space<hbm>>
      tpu.wait_dma2 semaphore(%run_scoped3A : memref<!tpu.dma_semaphore, #tpu.memory_space<semaphore_mem>>) src(%dma_wait3A_18 : memref<64xi32, #tpu.memory_space<hbm>>) dst(%arg5 : memref<64xi32, #tpu.memory_space<vmem>>)
      tpu.yield
    }) : () -> ()
    %dma_start3A = arith.constant 0 : i32
    %dma_start3A_1 = arith.constant 0 : i32
    %dma_start3A_2 = tpu.memref_slice %arg2[%dma_start3A, %dma_start3A_1] : memref<10000x128xf32, #tpu.memory_space<hbm>> -> memref<10000x128xf32, #tpu.memory_space<hbm>>
    tpu.enqueue_indirect_dma source(%dma_start3A_2 : memref<10000x128xf32, #tpu.memory_space<hbm>>) target(%arg6 : memref<64x128xf32, #tpu.memory_space<vmem>>) offsets(%arg5 : memref<64xi32, #tpu.memory_space<vmem>>) semaphore(%arg7 : memref<!tpu.dma_semaphore, #tpu.memory_space<semaphore_mem>>)
    %dma_wait3A = arith.constant 0 : i32
    %dma_wait3A_3 = arith.constant 0 : i32
    %dma_wait3A_4 = tpu.memref_slice %arg2[%dma_wait3A, %dma_wait3A_3] : memref<10000x128xf32, #tpu.memory_space<hbm>> -> memref<10000x128xf32, #tpu.memory_space<hbm>>
    tpu.wait_indirect_dma semaphore(%arg7 : memref<!tpu.dma_semaphore, #tpu.memory_space<semaphore_mem>>) src(%dma_wait3A_4 : memref<10000x128xf32, #tpu.memory_space<hbm>>) dst(%arg6 : memref<64x128xf32, #tpu.memory_space<vmem>>)
    %mul3A_5 = arith.constant 64 : i32
    %mul3A_6 = arith.muli %add3A, %mul3A_5 : i32
    "tpu.region"() ({
      %run_scoped3A = tpu.sem_alloc : memref<!tpu.dma_semaphore, #tpu.memory_space<semaphore_mem>>
      %dma_start3A_7 = arith.constant 0 : i32
      %dma_start3A_8 = tpu.memref_slice %arg4[%mul3A_6, %dma_start3A_7] : memref<2048x128xf32, #tpu.memory_space<hbm>> -> memref<64x128xf32, #tpu.memory_space<hbm>>
      %dma_start3A_9 = arith.constant 0 : i32
      %dma_start3A_10 = tpu.memref_slice %arg4[%mul3A_6, %dma_start3A_9] : memref<2048x128xf32, #tpu.memory_space<hbm>> -> memref<64x128xf32, #tpu.memory_space<hbm>>
      tpu.enqueue_dma source(%arg6 : memref<64x128xf32, #tpu.memory_space<vmem>>) target(%dma_start3A_10 : memref<64x128xf32, #tpu.memory_space<hbm>>) target_semaphore(%run_scoped3A : memref<!tpu.dma_semaphore, #tpu.memory_space<semaphore_mem>>)
      %dma_wait3A_11 = arith.constant 0 : i32
      %dma_wait3A_12 = tpu.memref_slice %arg4[%mul3A_6, %dma_wait3A_11] : memref<2048x128xf32, #tpu.memory_space<hbm>> -> memref<64x128xf32, #tpu.memory_space<hbm>>
      %dma_wait3A_13 = arith.constant 0 : i32
      %dma_wait3A_14 = tpu.memref_slice %arg4[%mul3A_6, %dma_wait3A_13] : memref<2048x128xf32, #tpu.memory_space<hbm>> -> memref<64x128xf32, #tpu.memory_space<hbm>>
      tpu.wait_dma2 semaphore(%run_scoped3A : memref<!tpu.dma_semaphore, #tpu.memory_space<semaphore_mem>>) src(%arg6 : memref<64x128xf32, #tpu.memory_space<vmem>>) dst(%dma_wait3A_14 : memref<64x128xf32, #tpu.memory_space<hbm>>)
      tpu.yield
    }) : () -> ()
    return
  }
}

#map = affine_map<(d0, d1) -> (0, 0)>
#map1 = affine_map<(d0, d1) -> (0, 0, 0)>
module attributes {stable_mosaic.version = 14 : i64} {
  func.func @_segsum_body(%arg0: i32, %arg1: i32, %arg2: memref<10000x128xf32, #tpu.memory_space<hbm>>, %arg3: memref<32x100x100xi32, #tpu.memory_space<hbm>>, %arg4: memref<32x100x100xi32, #tpu.memory_space<hbm>>, %arg5: memref<640x128xf32, #tpu.memory_space<hbm>>, %arg6: memref<2x10240x128xf32, #tpu.memory_space<hbm>>, %arg7: memref<100x100xi32, #tpu.memory_space<vmem>>, %arg8: memref<100x100xi32, #tpu.memory_space<vmem>>, %arg9: memref<100x128xf32, #tpu.memory_space<vmem>>, %arg10: memref<10240x128xf32, #tpu.memory_space<vmem_shared>>, %arg11: memref<!tpu.dma_semaphore, #tpu.memory_space<semaphore_mem>>) attributes {dimension_semantics = [#tpu.dimension_semantics<core_parallel>, #tpu.dimension_semantics<subcore_parallel>], iteration_bounds = array<i64: 2, 16>, scalar_prefetch = 0 : i64, scratch_operands = 5 : i64, tpu.core_type = #tpu.core_type<sc_vector_subcore>, window_params = [{transform_indices = #map}, {transform_indices = #map1}, {transform_indices = #map1}, {transform_indices = #map}, {transform_indices = #map1}]} {
    %mul3A = arith.constant 16 : i32
    %mul3A_0 = arith.muli %arg0, %mul3A : i32
    %add3A = arith.addi %mul3A_0, %arg1 : i32
    "tpu.region"() ({
      %run_scoped3A = tpu.sem_alloc : memref<!tpu.dma_semaphore, #tpu.memory_space<semaphore_mem>>
      %dma_start3A = arith.constant 0 : i32
      %dma_start3A_13 = arith.constant 0 : i32
      %dma_start3A_14 = tpu.memref_slice %arg3[%add3A, %dma_start3A, %dma_start3A_13] : memref<32x100x100xi32, #tpu.memory_space<hbm>> -> memref<1x100x100xi32, #tpu.memory_space<hbm>>
      %dma_start3A_15 = tpu.memref_squeeze %dma_start3A_14 : memref<1x100x100xi32, #tpu.memory_space<hbm>> -> memref<100x100xi32, #tpu.memory_space<hbm>>
      %dma_start3A_16 = arith.constant 0 : i32
      %dma_start3A_17 = arith.constant 0 : i32
      %dma_start3A_18 = tpu.memref_slice %arg3[%add3A, %dma_start3A_16, %dma_start3A_17] : memref<32x100x100xi32, #tpu.memory_space<hbm>> -> memref<1x100x100xi32, #tpu.memory_space<hbm>>
      %dma_start3A_19 = tpu.memref_squeeze %dma_start3A_18 : memref<1x100x100xi32, #tpu.memory_space<hbm>> -> memref<100x100xi32, #tpu.memory_space<hbm>>
      tpu.enqueue_dma source(%dma_start3A_19 : memref<100x100xi32, #tpu.memory_space<hbm>>) target(%arg7 : memref<100x100xi32, #tpu.memory_space<vmem>>) target_semaphore(%run_scoped3A : memref<!tpu.dma_semaphore, #tpu.memory_space<semaphore_mem>>)
      %dma_wait3A = arith.constant 0 : i32
      %dma_wait3A_20 = arith.constant 0 : i32
      %dma_wait3A_21 = tpu.memref_slice %arg3[%add3A, %dma_wait3A, %dma_wait3A_20] : memref<32x100x100xi32, #tpu.memory_space<hbm>> -> memref<1x100x100xi32, #tpu.memory_space<hbm>>
      %dma_wait3A_22 = tpu.memref_squeeze %dma_wait3A_21 : memref<1x100x100xi32, #tpu.memory_space<hbm>> -> memref<100x100xi32, #tpu.memory_space<hbm>>
      %dma_wait3A_23 = arith.constant 0 : i32
      %dma_wait3A_24 = arith.constant 0 : i32
      %dma_wait3A_25 = tpu.memref_slice %arg3[%add3A, %dma_wait3A_23, %dma_wait3A_24] : memref<32x100x100xi32, #tpu.memory_space<hbm>> -> memref<1x100x100xi32, #tpu.memory_space<hbm>>
      %dma_wait3A_26 = tpu.memref_squeeze %dma_wait3A_25 : memref<1x100x100xi32, #tpu.memory_space<hbm>> -> memref<100x100xi32, #tpu.memory_space<hbm>>
      tpu.wait_dma2 semaphore(%run_scoped3A : memref<!tpu.dma_semaphore, #tpu.memory_space<semaphore_mem>>) src(%dma_wait3A_26 : memref<100x100xi32, #tpu.memory_space<hbm>>) dst(%arg7 : memref<100x100xi32, #tpu.memory_space<vmem>>)
      tpu.yield
    }) : () -> ()
    "tpu.region"() ({
      %run_scoped3A = tpu.sem_alloc : memref<!tpu.dma_semaphore, #tpu.memory_space<semaphore_mem>>
      %dma_start3A = arith.constant 0 : i32
      %dma_start3A_13 = arith.constant 0 : i32
      %dma_start3A_14 = tpu.memref_slice %arg4[%add3A, %dma_start3A, %dma_start3A_13] : memref<32x100x100xi32, #tpu.memory_space<hbm>> -> memref<1x100x100xi32, #tpu.memory_space<hbm>>
      %dma_start3A_15 = tpu.memref_squeeze %dma_start3A_14 : memref<1x100x100xi32, #tpu.memory_space<hbm>> -> memref<100x100xi32, #tpu.memory_space<hbm>>
      %dma_start3A_16 = arith.constant 0 : i32
      %dma_start3A_17 = arith.constant 0 : i32
      %dma_start3A_18 = tpu.memref_slice %arg4[%add3A, %dma_start3A_16, %dma_start3A_17] : memref<32x100x100xi32, #tpu.memory_space<hbm>> -> memref<1x100x100xi32, #tpu.memory_space<hbm>>
      %dma_start3A_19 = tpu.memref_squeeze %dma_start3A_18 : memref<1x100x100xi32, #tpu.memory_space<hbm>> -> memref<100x100xi32, #tpu.memory_space<hbm>>
      tpu.enqueue_dma source(%dma_start3A_19 : memref<100x100xi32, #tpu.memory_space<hbm>>) target(%arg8 : memref<100x100xi32, #tpu.memory_space<vmem>>) target_semaphore(%run_scoped3A : memref<!tpu.dma_semaphore, #tpu.memory_space<semaphore_mem>>)
      %dma_wait3A = arith.constant 0 : i32
      %dma_wait3A_20 = arith.constant 0 : i32
      %dma_wait3A_21 = tpu.memref_slice %arg4[%add3A, %dma_wait3A, %dma_wait3A_20] : memref<32x100x100xi32, #tpu.memory_space<hbm>> -> memref<1x100x100xi32, #tpu.memory_space<hbm>>
      %dma_wait3A_22 = tpu.memref_squeeze %dma_wait3A_21 : memref<1x100x100xi32, #tpu.memory_space<hbm>> -> memref<100x100xi32, #tpu.memory_space<hbm>>
      %dma_wait3A_23 = arith.constant 0 : i32
      %dma_wait3A_24 = arith.constant 0 : i32
      %dma_wait3A_25 = tpu.memref_slice %arg4[%add3A, %dma_wait3A_23, %dma_wait3A_24] : memref<32x100x100xi32, #tpu.memory_space<hbm>> -> memref<1x100x100xi32, #tpu.memory_space<hbm>>
      %dma_wait3A_26 = tpu.memref_squeeze %dma_wait3A_25 : memref<1x100x100xi32, #tpu.memory_space<hbm>> -> memref<100x100xi32, #tpu.memory_space<hbm>>
      tpu.wait_dma2 semaphore(%run_scoped3A : memref<!tpu.dma_semaphore, #tpu.memory_space<semaphore_mem>>) src(%dma_wait3A_26 : memref<100x100xi32, #tpu.memory_space<hbm>>) dst(%arg8 : memref<100x100xi32, #tpu.memory_space<vmem>>)
      tpu.yield
    }) : () -> ()
    %mul3A_1 = arith.constant 640 : i32
    %mul3A_2 = arith.muli %arg1, %mul3A_1 : i32
    "tpu.region"() ({
      %run_scoped3A = tpu.sem_alloc : memref<!tpu.dma_semaphore, #tpu.memory_space<semaphore_mem>>
      %dma_start3A = arith.constant 0 : i32
      %dma_start3A_13 = tpu.memref_slice %arg10[%mul3A_2, %dma_start3A] : memref<10240x128xf32, #tpu.memory_space<vmem_shared>> -> memref<640x128xf32, #tpu.memory_space<vmem_shared>>
      tpu.enqueue_dma source(%arg5 : memref<640x128xf32, #tpu.memory_space<hbm>>) target(%dma_start3A_13 : memref<640x128xf32, #tpu.memory_space<vmem_shared>>) target_semaphore(%run_scoped3A : memref<!tpu.dma_semaphore, #tpu.memory_space<semaphore_mem>>)
      %dma_wait3A = arith.constant 0 : i32
      %dma_wait3A_14 = tpu.memref_slice %arg10[%mul3A_2, %dma_wait3A] : memref<10240x128xf32, #tpu.memory_space<vmem_shared>> -> memref<640x128xf32, #tpu.memory_space<vmem_shared>>
      tpu.wait_dma2 semaphore(%run_scoped3A : memref<!tpu.dma_semaphore, #tpu.memory_space<semaphore_mem>>) src(%arg5 : memref<640x128xf32, #tpu.memory_space<hbm>>) dst(%dma_wait3A_14 : memref<640x128xf32, #tpu.memory_space<vmem_shared>>)
      tpu.yield
    }) : () -> ()
    %barrier3A = arith.constant 0 : index
    tpu.barrier barrier_id(%barrier3A)
    %scan3A = arith.constant 0 : i32
    %scan3A_3 = arith.constant 0 : i32
    %scan3A_4 = arith.constant 100 : i32
    %scan3A_5 = arith.addi %scan3A_3, %scan3A_4 : i32
    %scan3A_6 = arith.constant 1 : i32
    scf.for %scan3A_13 = %scan3A_3 to %scan3A_5 step %scan3A_6  : i32 {
      %dma_start3A = arith.constant 0 : i32
      %dma_start3A_14 = tpu.memref_slice %arg7[%scan3A_13, %dma_start3A] : memref<100x100xi32, #tpu.memory_space<vmem>> -> memref<1x100xi32, #tpu.memory_space<vmem>>
      %dma_start3A_15 = tpu.memref_squeeze %dma_start3A_14 : memref<1x100xi32, #tpu.memory_space<vmem>> -> memref<100xi32, #tpu.memory_space<vmem>>
      %dma_start3A_16 = arith.constant 0 : i32
      %dma_start3A_17 = arith.constant 0 : i32
      %dma_start3A_18 = tpu.memref_slice %arg2[%dma_start3A_16, %dma_start3A_17] : memref<10000x128xf32, #tpu.memory_space<hbm>> -> memref<10000x128xf32, #tpu.memory_space<hbm>>
      tpu.enqueue_indirect_dma source(%dma_start3A_18 : memref<10000x128xf32, #tpu.memory_space<hbm>>) target(%arg9 : memref<100x128xf32, #tpu.memory_space<vmem>>) offsets(%dma_start3A_15 : memref<100xi32, #tpu.memory_space<vmem>>) semaphore(%arg11 : memref<!tpu.dma_semaphore, #tpu.memory_space<semaphore_mem>>)
      %dma_wait3A = arith.constant 0 : i32
      %dma_wait3A_19 = tpu.memref_slice %arg7[%scan3A_13, %dma_wait3A] : memref<100x100xi32, #tpu.memory_space<vmem>> -> memref<1x100xi32, #tpu.memory_space<vmem>>
      %dma_wait3A_20 = tpu.memref_squeeze %dma_wait3A_19 : memref<1x100xi32, #tpu.memory_space<vmem>> -> memref<100xi32, #tpu.memory_space<vmem>>
      %dma_wait3A_21 = arith.constant 0 : i32
      %dma_wait3A_22 = arith.constant 0 : i32
      %dma_wait3A_23 = tpu.memref_slice %arg2[%dma_wait3A_21, %dma_wait3A_22] : memref<10000x128xf32, #tpu.memory_space<hbm>> -> memref<10000x128xf32, #tpu.memory_space<hbm>>
      tpu.wait_indirect_dma semaphore(%arg11 : memref<!tpu.dma_semaphore, #tpu.memory_space<semaphore_mem>>) src(%dma_wait3A_23 : memref<10000x128xf32, #tpu.memory_space<hbm>>) dst(%arg9 : memref<100x128xf32, #tpu.memory_space<vmem>>)
      "tpu.region"() ({
        %run_scoped3A = tpu.sem_alloc : memref<!tpu.dma_semaphore, #tpu.memory_space<semaphore_mem>>
        %dma_start3A_24 = arith.constant 0 : i32
        %dma_start3A_25 = tpu.memref_slice %arg8[%scan3A_13, %dma_start3A_24] : memref<100x100xi32, #tpu.memory_space<vmem>> -> memref<1x100xi32, #tpu.memory_space<vmem>>
        %dma_start3A_26 = tpu.memref_squeeze %dma_start3A_25 : memref<1x100xi32, #tpu.memory_space<vmem>> -> memref<100xi32, #tpu.memory_space<vmem>>
        %dma_start3A_27 = arith.constant 0 : i32
        %dma_start3A_28 = arith.constant 0 : i32
        %dma_start3A_29 = tpu.memref_slice %arg10[%dma_start3A_27, %dma_start3A_28] : memref<10240x128xf32, #tpu.memory_space<vmem_shared>> -> memref<10240x128xf32, #tpu.memory_space<vmem_shared>>
        tpu.enqueue_indirect_dma source(%arg9 : memref<100x128xf32, #tpu.memory_space<vmem>>) target(%dma_start3A_29 : memref<10240x128xf32, #tpu.memory_space<vmem_shared>>) offsets(%dma_start3A_26 : memref<100xi32, #tpu.memory_space<vmem>>) semaphore(%run_scoped3A : memref<!tpu.dma_semaphore, #tpu.memory_space<semaphore_mem>>) {add = true}
        %dma_wait3A_30 = arith.constant 0 : i32
        %dma_wait3A_31 = tpu.memref_slice %arg8[%scan3A_13, %dma_wait3A_30] : memref<100x100xi32, #tpu.memory_space<vmem>> -> memref<1x100xi32, #tpu.memory_space<vmem>>
        %dma_wait3A_32 = tpu.memref_squeeze %dma_wait3A_31 : memref<1x100xi32, #tpu.memory_space<vmem>> -> memref<100xi32, #tpu.memory_space<vmem>>
        %dma_wait3A_33 = arith.constant 0 : i32
        %dma_wait3A_34 = arith.constant 0 : i32
        %dma_wait3A_35 = tpu.memref_slice %arg10[%dma_wait3A_33, %dma_wait3A_34] : memref<10240x128xf32, #tpu.memory_space<vmem_shared>> -> memref<10240x128xf32, #tpu.memory_space<vmem_shared>>
        tpu.wait_indirect_dma semaphore(%run_scoped3A : memref<!tpu.dma_semaphore, #tpu.memory_space<semaphore_mem>>) src(%arg9 : memref<100x128xf32, #tpu.memory_space<vmem>>) dst(%dma_wait3A_35 : memref<10240x128xf32, #tpu.memory_space<vmem_shared>>)
        tpu.yield
      }) : () -> ()
    }
    %scan3A_7 = arith.constant 100 : i32
    %barrier3A_8 = arith.constant 0 : index
    tpu.barrier barrier_id(%barrier3A_8)
    %mul3A_9 = arith.constant 640 : i32
    %mul3A_10 = arith.muli %arg1, %mul3A_9 : i32
    %mul3A_11 = arith.constant 640 : i32
    %mul3A_12 = arith.muli %arg1, %mul3A_11 : i32
    "tpu.region"() ({
      %run_scoped3A = tpu.sem_alloc : memref<!tpu.dma_semaphore, #tpu.memory_space<semaphore_mem>>
      %dma_start3A = arith.constant 0 : i32
      %dma_start3A_13 = tpu.memref_slice %arg6[%arg0, %mul3A_12, %dma_start3A] : memref<2x10240x128xf32, #tpu.memory_space<hbm>> -> memref<1x640x128xf32, #tpu.memory_space<hbm>>
      %dma_start3A_14 = tpu.memref_squeeze %dma_start3A_13 : memref<1x640x128xf32, #tpu.memory_space<hbm>> -> memref<640x128xf32, #tpu.memory_space<hbm>>
      %dma_start3A_15 = arith.constant 0 : i32
      %dma_start3A_16 = tpu.memref_slice %arg10[%mul3A_10, %dma_start3A_15] : memref<10240x128xf32, #tpu.memory_space<vmem_shared>> -> memref<640x128xf32, #tpu.memory_space<vmem_shared>>
      tpu.enqueue_dma source(%dma_start3A_16 : memref<640x128xf32, #tpu.memory_space<vmem_shared>>) target(%dma_start3A_14 : memref<640x128xf32, #tpu.memory_space<hbm>>) target_semaphore(%run_scoped3A : memref<!tpu.dma_semaphore, #tpu.memory_space<semaphore_mem>>)
      %dma_wait3A = arith.constant 0 : i32
      %dma_wait3A_17 = tpu.memref_slice %arg6[%arg0, %mul3A_12, %dma_wait3A] : memref<2x10240x128xf32, #tpu.memory_space<hbm>> -> memref<1x640x128xf32, #tpu.memory_space<hbm>>
      %dma_wait3A_18 = tpu.memref_squeeze %dma_wait3A_17 : memref<1x640x128xf32, #tpu.memory_space<hbm>> -> memref<640x128xf32, #tpu.memory_space<hbm>>
      %dma_wait3A_19 = arith.constant 0 : i32
      %dma_wait3A_20 = tpu.memref_slice %arg10[%mul3A_10, %dma_wait3A_19] : memref<10240x128xf32, #tpu.memory_space<vmem_shared>> -> memref<640x128xf32, #tpu.memory_space<vmem_shared>>
      tpu.wait_dma2 semaphore(%run_scoped3A : memref<!tpu.dma_semaphore, #tpu.memory_space<semaphore_mem>>) src(%dma_wait3A_20 : memref<640x128xf32, #tpu.memory_space<vmem_shared>>) dst(%dma_wait3A_18 : memref<640x128xf32, #tpu.memory_space<hbm>>)
      tpu.yield
    }) : () -> ()
    return
  }
}

#map = affine_map<(d0, d1) -> (0, 0)>
#map1 = affine_map<(d0, d1) -> (0, 0, 0)>
module attributes {stable_mosaic.version = 14 : i64} {
  func.func @_segsum_body(%arg0: i32, %arg1: i32, %arg2: memref<10000x128xf32, #tpu.memory_space<hbm>>, %arg3: memref<32x100x100xi32, #tpu.memory_space<hbm>>, %arg4: memref<32x100x100xi32, #tpu.memory_space<hbm>>, %arg5: memref<640x128xf32, #tpu.memory_space<hbm>>, %arg6: memref<2x10240x128xf32, #tpu.memory_space<hbm>>, %arg7: memref<100x100xi32, #tpu.memory_space<vmem>>, %arg8: memref<100x100xi32, #tpu.memory_space<vmem>>, %arg9: memref<100x128xf32, #tpu.memory_space<vmem>>, %arg10: memref<10240x128xf32, #tpu.memory_space<vmem_shared>>, %arg11: memref<!tpu.dma_semaphore, #tpu.memory_space<semaphore_mem>>) attributes {dimension_semantics = [#tpu.dimension_semantics<core_parallel>, #tpu.dimension_semantics<subcore_parallel>], iteration_bounds = array<i64: 2, 16>, scalar_prefetch = 0 : i64, scratch_operands = 5 : i64, tpu.core_type = #tpu.core_type<sc_vector_subcore>, window_params = [{transform_indices = #map}, {transform_indices = #map1}, {transform_indices = #map1}, {transform_indices = #map}, {transform_indices = #map1}]} {
    %mul3A = arith.constant 16 : i32
    %mul3A_0 = arith.muli %arg0, %mul3A : i32
    %add3A = arith.addi %mul3A_0, %arg1 : i32
    "tpu.region"() ({
      %run_scoped3A = tpu.sem_alloc : memref<!tpu.dma_semaphore, #tpu.memory_space<semaphore_mem>>
      %dma_start3A = arith.constant 0 : i32
      %dma_start3A_13 = arith.constant 0 : i32
      %dma_start3A_14 = tpu.memref_slice %arg3[%add3A, %dma_start3A, %dma_start3A_13] : memref<32x100x100xi32, #tpu.memory_space<hbm>> -> memref<1x100x100xi32, #tpu.memory_space<hbm>>
      %dma_start3A_15 = tpu.memref_squeeze %dma_start3A_14 : memref<1x100x100xi32, #tpu.memory_space<hbm>> -> memref<100x100xi32, #tpu.memory_space<hbm>>
      %dma_start3A_16 = arith.constant 0 : i32
      %dma_start3A_17 = arith.constant 0 : i32
      %dma_start3A_18 = tpu.memref_slice %arg3[%add3A, %dma_start3A_16, %dma_start3A_17] : memref<32x100x100xi32, #tpu.memory_space<hbm>> -> memref<1x100x100xi32, #tpu.memory_space<hbm>>
      %dma_start3A_19 = tpu.memref_squeeze %dma_start3A_18 : memref<1x100x100xi32, #tpu.memory_space<hbm>> -> memref<100x100xi32, #tpu.memory_space<hbm>>
      tpu.enqueue_dma source(%dma_start3A_19 : memref<100x100xi32, #tpu.memory_space<hbm>>) target(%arg7 : memref<100x100xi32, #tpu.memory_space<vmem>>) target_semaphore(%run_scoped3A : memref<!tpu.dma_semaphore, #tpu.memory_space<semaphore_mem>>)
      %dma_wait3A = arith.constant 0 : i32
      %dma_wait3A_20 = arith.constant 0 : i32
      %dma_wait3A_21 = tpu.memref_slice %arg3[%add3A, %dma_wait3A, %dma_wait3A_20] : memref<32x100x100xi32, #tpu.memory_space<hbm>> -> memref<1x100x100xi32, #tpu.memory_space<hbm>>
      %dma_wait3A_22 = tpu.memref_squeeze %dma_wait3A_21 : memref<1x100x100xi32, #tpu.memory_space<hbm>> -> memref<100x100xi32, #tpu.memory_space<hbm>>
      %dma_wait3A_23 = arith.constant 0 : i32
      %dma_wait3A_24 = arith.constant 0 : i32
      %dma_wait3A_25 = tpu.memref_slice %arg3[%add3A, %dma_wait3A_23, %dma_wait3A_24] : memref<32x100x100xi32, #tpu.memory_space<hbm>> -> memref<1x100x100xi32, #tpu.memory_space<hbm>>
      %dma_wait3A_26 = tpu.memref_squeeze %dma_wait3A_25 : memref<1x100x100xi32, #tpu.memory_space<hbm>> -> memref<100x100xi32, #tpu.memory_space<hbm>>
      tpu.wait_dma2 semaphore(%run_scoped3A : memref<!tpu.dma_semaphore, #tpu.memory_space<semaphore_mem>>) src(%dma_wait3A_26 : memref<100x100xi32, #tpu.memory_space<hbm>>) dst(%arg7 : memref<100x100xi32, #tpu.memory_space<vmem>>)
      tpu.yield
    }) : () -> ()
    "tpu.region"() ({
      %run_scoped3A = tpu.sem_alloc : memref<!tpu.dma_semaphore, #tpu.memory_space<semaphore_mem>>
      %dma_start3A = arith.constant 0 : i32
      %dma_start3A_13 = arith.constant 0 : i32
      %dma_start3A_14 = tpu.memref_slice %arg4[%add3A, %dma_start3A, %dma_start3A_13] : memref<32x100x100xi32, #tpu.memory_space<hbm>> -> memref<1x100x100xi32, #tpu.memory_space<hbm>>
      %dma_start3A_15 = tpu.memref_squeeze %dma_start3A_14 : memref<1x100x100xi32, #tpu.memory_space<hbm>> -> memref<100x100xi32, #tpu.memory_space<hbm>>
      %dma_start3A_16 = arith.constant 0 : i32
      %dma_start3A_17 = arith.constant 0 : i32
      %dma_start3A_18 = tpu.memref_slice %arg4[%add3A, %dma_start3A_16, %dma_start3A_17] : memref<32x100x100xi32, #tpu.memory_space<hbm>> -> memref<1x100x100xi32, #tpu.memory_space<hbm>>
      %dma_start3A_19 = tpu.memref_squeeze %dma_start3A_18 : memref<1x100x100xi32, #tpu.memory_space<hbm>> -> memref<100x100xi32, #tpu.memory_space<hbm>>
      tpu.enqueue_dma source(%dma_start3A_19 : memref<100x100xi32, #tpu.memory_space<hbm>>) target(%arg8 : memref<100x100xi32, #tpu.memory_space<vmem>>) target_semaphore(%run_scoped3A : memref<!tpu.dma_semaphore, #tpu.memory_space<semaphore_mem>>)
      %dma_wait3A = arith.constant 0 : i32
      %dma_wait3A_20 = arith.constant 0 : i32
      %dma_wait3A_21 = tpu.memref_slice %arg4[%add3A, %dma_wait3A, %dma_wait3A_20] : memref<32x100x100xi32, #tpu.memory_space<hbm>> -> memref<1x100x100xi32, #tpu.memory_space<hbm>>
      %dma_wait3A_22 = tpu.memref_squeeze %dma_wait3A_21 : memref<1x100x100xi32, #tpu.memory_space<hbm>> -> memref<100x100xi32, #tpu.memory_space<hbm>>
      %dma_wait3A_23 = arith.constant 0 : i32
      %dma_wait3A_24 = arith.constant 0 : i32
      %dma_wait3A_25 = tpu.memref_slice %arg4[%add3A, %dma_wait3A_23, %dma_wait3A_24] : memref<32x100x100xi32, #tpu.memory_space<hbm>> -> memref<1x100x100xi32, #tpu.memory_space<hbm>>
      %dma_wait3A_26 = tpu.memref_squeeze %dma_wait3A_25 : memref<1x100x100xi32, #tpu.memory_space<hbm>> -> memref<100x100xi32, #tpu.memory_space<hbm>>
      tpu.wait_dma2 semaphore(%run_scoped3A : memref<!tpu.dma_semaphore, #tpu.memory_space<semaphore_mem>>) src(%dma_wait3A_26 : memref<100x100xi32, #tpu.memory_space<hbm>>) dst(%arg8 : memref<100x100xi32, #tpu.memory_space<vmem>>)
      tpu.yield
    }) : () -> ()
    %mul3A_1 = arith.constant 640 : i32
    %mul3A_2 = arith.muli %arg1, %mul3A_1 : i32
    "tpu.region"() ({
      %run_scoped3A = tpu.sem_alloc : memref<!tpu.dma_semaphore, #tpu.memory_space<semaphore_mem>>
      %dma_start3A = arith.constant 0 : i32
      %dma_start3A_13 = tpu.memref_slice %arg10[%mul3A_2, %dma_start3A] : memref<10240x128xf32, #tpu.memory_space<vmem_shared>> -> memref<640x128xf32, #tpu.memory_space<vmem_shared>>
      tpu.enqueue_dma source(%arg5 : memref<640x128xf32, #tpu.memory_space<hbm>>) target(%dma_start3A_13 : memref<640x128xf32, #tpu.memory_space<vmem_shared>>) target_semaphore(%run_scoped3A : memref<!tpu.dma_semaphore, #tpu.memory_space<semaphore_mem>>)
      %dma_wait3A = arith.constant 0 : i32
      %dma_wait3A_14 = tpu.memref_slice %arg10[%mul3A_2, %dma_wait3A] : memref<10240x128xf32, #tpu.memory_space<vmem_shared>> -> memref<640x128xf32, #tpu.memory_space<vmem_shared>>
      tpu.wait_dma2 semaphore(%run_scoped3A : memref<!tpu.dma_semaphore, #tpu.memory_space<semaphore_mem>>) src(%arg5 : memref<640x128xf32, #tpu.memory_space<hbm>>) dst(%dma_wait3A_14 : memref<640x128xf32, #tpu.memory_space<vmem_shared>>)
      tpu.yield
    }) : () -> ()
    %barrier3A = arith.constant 0 : index
    tpu.barrier barrier_id(%barrier3A)
    %scan3A = arith.constant 0 : i32
    %scan3A_3 = arith.constant 0 : i32
    %scan3A_4 = arith.constant 100 : i32
    %scan3A_5 = arith.addi %scan3A_3, %scan3A_4 : i32
    %scan3A_6 = arith.constant 1 : i32
    scf.for %scan3A_13 = %scan3A_3 to %scan3A_5 step %scan3A_6  : i32 {
      %dma_start3A = arith.constant 0 : i32
      %dma_start3A_14 = tpu.memref_slice %arg7[%scan3A_13, %dma_start3A] : memref<100x100xi32, #tpu.memory_space<vmem>> -> memref<1x100xi32, #tpu.memory_space<vmem>>
      %dma_start3A_15 = tpu.memref_squeeze %dma_start3A_14 : memref<1x100xi32, #tpu.memory_space<vmem>> -> memref<100xi32, #tpu.memory_space<vmem>>
      %dma_start3A_16 = arith.constant 0 : i32
      %dma_start3A_17 = arith.constant 0 : i32
      %dma_start3A_18 = tpu.memref_slice %arg2[%dma_start3A_16, %dma_start3A_17] : memref<10000x128xf32, #tpu.memory_space<hbm>> -> memref<10000x128xf32, #tpu.memory_space<hbm>>
      tpu.enqueue_indirect_dma source(%dma_start3A_18 : memref<10000x128xf32, #tpu.memory_space<hbm>>) target(%arg9 : memref<100x128xf32, #tpu.memory_space<vmem>>) offsets(%dma_start3A_15 : memref<100xi32, #tpu.memory_space<vmem>>) semaphore(%arg11 : memref<!tpu.dma_semaphore, #tpu.memory_space<semaphore_mem>>)
      %dma_wait3A = arith.constant 0 : i32
      %dma_wait3A_19 = tpu.memref_slice %arg7[%scan3A_13, %dma_wait3A] : memref<100x100xi32, #tpu.memory_space<vmem>> -> memref<1x100xi32, #tpu.memory_space<vmem>>
      %dma_wait3A_20 = tpu.memref_squeeze %dma_wait3A_19 : memref<1x100xi32, #tpu.memory_space<vmem>> -> memref<100xi32, #tpu.memory_space<vmem>>
      %dma_wait3A_21 = arith.constant 0 : i32
      %dma_wait3A_22 = arith.constant 0 : i32
      %dma_wait3A_23 = tpu.memref_slice %arg2[%dma_wait3A_21, %dma_wait3A_22] : memref<10000x128xf32, #tpu.memory_space<hbm>> -> memref<10000x128xf32, #tpu.memory_space<hbm>>
      tpu.wait_indirect_dma semaphore(%arg11 : memref<!tpu.dma_semaphore, #tpu.memory_space<semaphore_mem>>) src(%dma_wait3A_23 : memref<10000x128xf32, #tpu.memory_space<hbm>>) dst(%arg9 : memref<100x128xf32, #tpu.memory_space<vmem>>)
      "tpu.region"() ({
        %run_scoped3A = tpu.sem_alloc : memref<!tpu.dma_semaphore, #tpu.memory_space<semaphore_mem>>
        %dma_start3A_24 = arith.constant 0 : i32
        %dma_start3A_25 = tpu.memref_slice %arg8[%scan3A_13, %dma_start3A_24] : memref<100x100xi32, #tpu.memory_space<vmem>> -> memref<1x100xi32, #tpu.memory_space<vmem>>
        %dma_start3A_26 = tpu.memref_squeeze %dma_start3A_25 : memref<1x100xi32, #tpu.memory_space<vmem>> -> memref<100xi32, #tpu.memory_space<vmem>>
        %dma_start3A_27 = arith.constant 0 : i32
        %dma_start3A_28 = arith.constant 0 : i32
        %dma_start3A_29 = tpu.memref_slice %arg10[%dma_start3A_27, %dma_start3A_28] : memref<10240x128xf32, #tpu.memory_space<vmem_shared>> -> memref<10240x128xf32, #tpu.memory_space<vmem_shared>>
        tpu.enqueue_indirect_dma source(%arg9 : memref<100x128xf32, #tpu.memory_space<vmem>>) target(%dma_start3A_29 : memref<10240x128xf32, #tpu.memory_space<vmem_shared>>) offsets(%dma_start3A_26 : memref<100xi32, #tpu.memory_space<vmem>>) semaphore(%run_scoped3A : memref<!tpu.dma_semaphore, #tpu.memory_space<semaphore_mem>>) {add = true}
        %dma_wait3A_30 = arith.constant 0 : i32
        %dma_wait3A_31 = tpu.memref_slice %arg8[%scan3A_13, %dma_wait3A_30] : memref<100x100xi32, #tpu.memory_space<vmem>> -> memref<1x100xi32, #tpu.memory_space<vmem>>
        %dma_wait3A_32 = tpu.memref_squeeze %dma_wait3A_31 : memref<1x100xi32, #tpu.memory_space<vmem>> -> memref<100xi32, #tpu.memory_space<vmem>>
        %dma_wait3A_33 = arith.constant 0 : i32
        %dma_wait3A_34 = arith.constant 0 : i32
        %dma_wait3A_35 = tpu.memref_slice %arg10[%dma_wait3A_33, %dma_wait3A_34] : memref<10240x128xf32, #tpu.memory_space<vmem_shared>> -> memref<10240x128xf32, #tpu.memory_space<vmem_shared>>
        tpu.wait_indirect_dma semaphore(%run_scoped3A : memref<!tpu.dma_semaphore, #tpu.memory_space<semaphore_mem>>) src(%arg9 : memref<100x128xf32, #tpu.memory_space<vmem>>) dst(%dma_wait3A_35 : memref<10240x128xf32, #tpu.memory_space<vmem_shared>>)
        tpu.yield
      }) : () -> ()
    }
    %scan3A_7 = arith.constant 100 : i32
    %barrier3A_8 = arith.constant 0 : index
    tpu.barrier barrier_id(%barrier3A_8)
    %mul3A_9 = arith.constant 640 : i32
    %mul3A_10 = arith.muli %arg1, %mul3A_9 : i32
    %mul3A_11 = arith.constant 640 : i32
    %mul3A_12 = arith.muli %arg1, %mul3A_11 : i32
    "tpu.region"() ({
      %run_scoped3A = tpu.sem_alloc : memref<!tpu.dma_semaphore, #tpu.memory_space<semaphore_mem>>
      %dma_start3A = arith.constant 0 : i32
      %dma_start3A_13 = tpu.memref_slice %arg6[%arg0, %mul3A_12, %dma_start3A] : memref<2x10240x128xf32, #tpu.memory_space<hbm>> -> memref<1x640x128xf32, #tpu.memory_space<hbm>>
      %dma_start3A_14 = tpu.memref_squeeze %dma_start3A_13 : memref<1x640x128xf32, #tpu.memory_space<hbm>> -> memref<640x128xf32, #tpu.memory_space<hbm>>
      %dma_start3A_15 = arith.constant 0 : i32
      %dma_start3A_16 = tpu.memref_slice %arg10[%mul3A_10, %dma_start3A_15] : memref<10240x128xf32, #tpu.memory_space<vmem_shared>> -> memref<640x128xf32, #tpu.memory_space<vmem_shared>>
      tpu.enqueue_dma source(%dma_start3A_16 : memref<640x128xf32, #tpu.memory_space<vmem_shared>>) target(%dma_start3A_14 : memref<640x128xf32, #tpu.memory_space<hbm>>) target_semaphore(%run_scoped3A : memref<!tpu.dma_semaphore, #tpu.memory_space<semaphore_mem>>)
      %dma_wait3A = arith.constant 0 : i32
      %dma_wait3A_17 = tpu.memref_slice %arg6[%arg0, %mul3A_12, %dma_wait3A] : memref<2x10240x128xf32, #tpu.memory_space<hbm>> -> memref<1x640x128xf32, #tpu.memory_space<hbm>>
      %dma_wait3A_18 = tpu.memref_squeeze %dma_wait3A_17 : memref<1x640x128xf32, #tpu.memory_space<hbm>> -> memref<640x128xf32, #tpu.memory_space<hbm>>
      %dma_wait3A_19 = arith.constant 0 : i32
      %dma_wait3A_20 = tpu.memref_slice %arg10[%mul3A_10, %dma_wait3A_19] : memref<10240x128xf32, #tpu.memory_space<vmem_shared>> -> memref<640x128xf32, #tpu.memory_space<vmem_shared>>
      tpu.wait_dma2 semaphore(%run_scoped3A : memref<!tpu.dma_semaphore, #tpu.memory_space<semaphore_mem>>) src(%dma_wait3A_20 : memref<640x128xf32, #tpu.memory_space<vmem_shared>>) dst(%dma_wait3A_18 : memref<640x128xf32, #tpu.memory_space<hbm>>)
      tpu.yield
    }) : () -> ()
    return
  }
}

#map = affine_map<(d0, d1) -> (0, 0)>
#map1 = affine_map<(d0, d1) -> (0, 0, 0)>
module attributes {stable_mosaic.version = 14 : i64} {
  func.func @_segsum_body(%arg0: i32, %arg1: i32, %arg2: memref<10000x128xf32, #tpu.memory_space<hbm>>, %arg3: memref<32x100x100xi32, #tpu.memory_space<hbm>>, %arg4: memref<32x100x100xi32, #tpu.memory_space<hbm>>, %arg5: memref<640x128xf32, #tpu.memory_space<hbm>>, %arg6: memref<2x10240x128xf32, #tpu.memory_space<hbm>>, %arg7: memref<100x100xi32, #tpu.memory_space<vmem>>, %arg8: memref<100x100xi32, #tpu.memory_space<vmem>>, %arg9: memref<100x128xf32, #tpu.memory_space<vmem>>, %arg10: memref<10240x128xf32, #tpu.memory_space<vmem_shared>>, %arg11: memref<!tpu.dma_semaphore, #tpu.memory_space<semaphore_mem>>) attributes {dimension_semantics = [#tpu.dimension_semantics<core_parallel>, #tpu.dimension_semantics<subcore_parallel>], iteration_bounds = array<i64: 2, 16>, scalar_prefetch = 0 : i64, scratch_operands = 5 : i64, tpu.core_type = #tpu.core_type<sc_vector_subcore>, window_params = [{transform_indices = #map}, {transform_indices = #map1}, {transform_indices = #map1}, {transform_indices = #map}, {transform_indices = #map1}]} {
    %mul3A = arith.constant 16 : i32
    %mul3A_0 = arith.muli %arg0, %mul3A : i32
    %add3A = arith.addi %mul3A_0, %arg1 : i32
    "tpu.region"() ({
      %run_scoped3A = tpu.sem_alloc : memref<!tpu.dma_semaphore, #tpu.memory_space<semaphore_mem>>
      %dma_start3A = arith.constant 0 : i32
      %dma_start3A_13 = arith.constant 0 : i32
      %dma_start3A_14 = tpu.memref_slice %arg3[%add3A, %dma_start3A, %dma_start3A_13] : memref<32x100x100xi32, #tpu.memory_space<hbm>> -> memref<1x100x100xi32, #tpu.memory_space<hbm>>
      %dma_start3A_15 = tpu.memref_squeeze %dma_start3A_14 : memref<1x100x100xi32, #tpu.memory_space<hbm>> -> memref<100x100xi32, #tpu.memory_space<hbm>>
      %dma_start3A_16 = arith.constant 0 : i32
      %dma_start3A_17 = arith.constant 0 : i32
      %dma_start3A_18 = tpu.memref_slice %arg3[%add3A, %dma_start3A_16, %dma_start3A_17] : memref<32x100x100xi32, #tpu.memory_space<hbm>> -> memref<1x100x100xi32, #tpu.memory_space<hbm>>
      %dma_start3A_19 = tpu.memref_squeeze %dma_start3A_18 : memref<1x100x100xi32, #tpu.memory_space<hbm>> -> memref<100x100xi32, #tpu.memory_space<hbm>>
      tpu.enqueue_dma source(%dma_start3A_19 : memref<100x100xi32, #tpu.memory_space<hbm>>) target(%arg7 : memref<100x100xi32, #tpu.memory_space<vmem>>) target_semaphore(%run_scoped3A : memref<!tpu.dma_semaphore, #tpu.memory_space<semaphore_mem>>)
      %dma_wait3A = arith.constant 0 : i32
      %dma_wait3A_20 = arith.constant 0 : i32
      %dma_wait3A_21 = tpu.memref_slice %arg3[%add3A, %dma_wait3A, %dma_wait3A_20] : memref<32x100x100xi32, #tpu.memory_space<hbm>> -> memref<1x100x100xi32, #tpu.memory_space<hbm>>
      %dma_wait3A_22 = tpu.memref_squeeze %dma_wait3A_21 : memref<1x100x100xi32, #tpu.memory_space<hbm>> -> memref<100x100xi32, #tpu.memory_space<hbm>>
      %dma_wait3A_23 = arith.constant 0 : i32
      %dma_wait3A_24 = arith.constant 0 : i32
      %dma_wait3A_25 = tpu.memref_slice %arg3[%add3A, %dma_wait3A_23, %dma_wait3A_24] : memref<32x100x100xi32, #tpu.memory_space<hbm>> -> memref<1x100x100xi32, #tpu.memory_space<hbm>>
      %dma_wait3A_26 = tpu.memref_squeeze %dma_wait3A_25 : memref<1x100x100xi32, #tpu.memory_space<hbm>> -> memref<100x100xi32, #tpu.memory_space<hbm>>
      tpu.wait_dma2 semaphore(%run_scoped3A : memref<!tpu.dma_semaphore, #tpu.memory_space<semaphore_mem>>) src(%dma_wait3A_26 : memref<100x100xi32, #tpu.memory_space<hbm>>) dst(%arg7 : memref<100x100xi32, #tpu.memory_space<vmem>>)
      tpu.yield
    }) : () -> ()
    "tpu.region"() ({
      %run_scoped3A = tpu.sem_alloc : memref<!tpu.dma_semaphore, #tpu.memory_space<semaphore_mem>>
      %dma_start3A = arith.constant 0 : i32
      %dma_start3A_13 = arith.constant 0 : i32
      %dma_start3A_14 = tpu.memref_slice %arg4[%add3A, %dma_start3A, %dma_start3A_13] : memref<32x100x100xi32, #tpu.memory_space<hbm>> -> memref<1x100x100xi32, #tpu.memory_space<hbm>>
      %dma_start3A_15 = tpu.memref_squeeze %dma_start3A_14 : memref<1x100x100xi32, #tpu.memory_space<hbm>> -> memref<100x100xi32, #tpu.memory_space<hbm>>
      %dma_start3A_16 = arith.constant 0 : i32
      %dma_start3A_17 = arith.constant 0 : i32
      %dma_start3A_18 = tpu.memref_slice %arg4[%add3A, %dma_start3A_16, %dma_start3A_17] : memref<32x100x100xi32, #tpu.memory_space<hbm>> -> memref<1x100x100xi32, #tpu.memory_space<hbm>>
      %dma_start3A_19 = tpu.memref_squeeze %dma_start3A_18 : memref<1x100x100xi32, #tpu.memory_space<hbm>> -> memref<100x100xi32, #tpu.memory_space<hbm>>
      tpu.enqueue_dma source(%dma_start3A_19 : memref<100x100xi32, #tpu.memory_space<hbm>>) target(%arg8 : memref<100x100xi32, #tpu.memory_space<vmem>>) target_semaphore(%run_scoped3A : memref<!tpu.dma_semaphore, #tpu.memory_space<semaphore_mem>>)
      %dma_wait3A = arith.constant 0 : i32
      %dma_wait3A_20 = arith.constant 0 : i32
      %dma_wait3A_21 = tpu.memref_slice %arg4[%add3A, %dma_wait3A, %dma_wait3A_20] : memref<32x100x100xi32, #tpu.memory_space<hbm>> -> memref<1x100x100xi32, #tpu.memory_space<hbm>>
      %dma_wait3A_22 = tpu.memref_squeeze %dma_wait3A_21 : memref<1x100x100xi32, #tpu.memory_space<hbm>> -> memref<100x100xi32, #tpu.memory_space<hbm>>
      %dma_wait3A_23 = arith.constant 0 : i32
      %dma_wait3A_24 = arith.constant 0 : i32
      %dma_wait3A_25 = tpu.memref_slice %arg4[%add3A, %dma_wait3A_23, %dma_wait3A_24] : memref<32x100x100xi32, #tpu.memory_space<hbm>> -> memref<1x100x100xi32, #tpu.memory_space<hbm>>
      %dma_wait3A_26 = tpu.memref_squeeze %dma_wait3A_25 : memref<1x100x100xi32, #tpu.memory_space<hbm>> -> memref<100x100xi32, #tpu.memory_space<hbm>>
      tpu.wait_dma2 semaphore(%run_scoped3A : memref<!tpu.dma_semaphore, #tpu.memory_space<semaphore_mem>>) src(%dma_wait3A_26 : memref<100x100xi32, #tpu.memory_space<hbm>>) dst(%arg8 : memref<100x100xi32, #tpu.memory_space<vmem>>)
      tpu.yield
    }) : () -> ()
    %mul3A_1 = arith.constant 640 : i32
    %mul3A_2 = arith.muli %arg1, %mul3A_1 : i32
    "tpu.region"() ({
      %run_scoped3A = tpu.sem_alloc : memref<!tpu.dma_semaphore, #tpu.memory_space<semaphore_mem>>
      %dma_start3A = arith.constant 0 : i32
      %dma_start3A_13 = tpu.memref_slice %arg10[%mul3A_2, %dma_start3A] : memref<10240x128xf32, #tpu.memory_space<vmem_shared>> -> memref<640x128xf32, #tpu.memory_space<vmem_shared>>
      tpu.enqueue_dma source(%arg5 : memref<640x128xf32, #tpu.memory_space<hbm>>) target(%dma_start3A_13 : memref<640x128xf32, #tpu.memory_space<vmem_shared>>) target_semaphore(%run_scoped3A : memref<!tpu.dma_semaphore, #tpu.memory_space<semaphore_mem>>)
      %dma_wait3A = arith.constant 0 : i32
      %dma_wait3A_14 = tpu.memref_slice %arg10[%mul3A_2, %dma_wait3A] : memref<10240x128xf32, #tpu.memory_space<vmem_shared>> -> memref<640x128xf32, #tpu.memory_space<vmem_shared>>
      tpu.wait_dma2 semaphore(%run_scoped3A : memref<!tpu.dma_semaphore, #tpu.memory_space<semaphore_mem>>) src(%arg5 : memref<640x128xf32, #tpu.memory_space<hbm>>) dst(%dma_wait3A_14 : memref<640x128xf32, #tpu.memory_space<vmem_shared>>)
      tpu.yield
    }) : () -> ()
    %barrier3A = arith.constant 0 : index
    tpu.barrier barrier_id(%barrier3A)
    %scan3A = arith.constant 0 : i32
    %scan3A_3 = arith.constant 0 : i32
    %scan3A_4 = arith.constant 100 : i32
    %scan3A_5 = arith.addi %scan3A_3, %scan3A_4 : i32
    %scan3A_6 = arith.constant 1 : i32
    scf.for %scan3A_13 = %scan3A_3 to %scan3A_5 step %scan3A_6  : i32 {
      %dma_start3A = arith.constant 0 : i32
      %dma_start3A_14 = tpu.memref_slice %arg7[%scan3A_13, %dma_start3A] : memref<100x100xi32, #tpu.memory_space<vmem>> -> memref<1x100xi32, #tpu.memory_space<vmem>>
      %dma_start3A_15 = tpu.memref_squeeze %dma_start3A_14 : memref<1x100xi32, #tpu.memory_space<vmem>> -> memref<100xi32, #tpu.memory_space<vmem>>
      %dma_start3A_16 = arith.constant 0 : i32
      %dma_start3A_17 = arith.constant 0 : i32
      %dma_start3A_18 = tpu.memref_slice %arg2[%dma_start3A_16, %dma_start3A_17] : memref<10000x128xf32, #tpu.memory_space<hbm>> -> memref<10000x128xf32, #tpu.memory_space<hbm>>
      tpu.enqueue_indirect_dma source(%dma_start3A_18 : memref<10000x128xf32, #tpu.memory_space<hbm>>) target(%arg9 : memref<100x128xf32, #tpu.memory_space<vmem>>) offsets(%dma_start3A_15 : memref<100xi32, #tpu.memory_space<vmem>>) semaphore(%arg11 : memref<!tpu.dma_semaphore, #tpu.memory_space<semaphore_mem>>)
      %dma_wait3A = arith.constant 0 : i32
      %dma_wait3A_19 = tpu.memref_slice %arg7[%scan3A_13, %dma_wait3A] : memref<100x100xi32, #tpu.memory_space<vmem>> -> memref<1x100xi32, #tpu.memory_space<vmem>>
      %dma_wait3A_20 = tpu.memref_squeeze %dma_wait3A_19 : memref<1x100xi32, #tpu.memory_space<vmem>> -> memref<100xi32, #tpu.memory_space<vmem>>
      %dma_wait3A_21 = arith.constant 0 : i32
      %dma_wait3A_22 = arith.constant 0 : i32
      %dma_wait3A_23 = tpu.memref_slice %arg2[%dma_wait3A_21, %dma_wait3A_22] : memref<10000x128xf32, #tpu.memory_space<hbm>> -> memref<10000x128xf32, #tpu.memory_space<hbm>>
      tpu.wait_indirect_dma semaphore(%arg11 : memref<!tpu.dma_semaphore, #tpu.memory_space<semaphore_mem>>) src(%dma_wait3A_23 : memref<10000x128xf32, #tpu.memory_space<hbm>>) dst(%arg9 : memref<100x128xf32, #tpu.memory_space<vmem>>)
      "tpu.region"() ({
        %run_scoped3A = tpu.sem_alloc : memref<!tpu.dma_semaphore, #tpu.memory_space<semaphore_mem>>
        %dma_start3A_24 = arith.constant 0 : i32
        %dma_start3A_25 = tpu.memref_slice %arg8[%scan3A_13, %dma_start3A_24] : memref<100x100xi32, #tpu.memory_space<vmem>> -> memref<1x100xi32, #tpu.memory_space<vmem>>
        %dma_start3A_26 = tpu.memref_squeeze %dma_start3A_25 : memref<1x100xi32, #tpu.memory_space<vmem>> -> memref<100xi32, #tpu.memory_space<vmem>>
        %dma_start3A_27 = arith.constant 0 : i32
        %dma_start3A_28 = arith.constant 0 : i32
        %dma_start3A_29 = tpu.memref_slice %arg10[%dma_start3A_27, %dma_start3A_28] : memref<10240x128xf32, #tpu.memory_space<vmem_shared>> -> memref<10240x128xf32, #tpu.memory_space<vmem_shared>>
        tpu.enqueue_indirect_dma source(%arg9 : memref<100x128xf32, #tpu.memory_space<vmem>>) target(%dma_start3A_29 : memref<10240x128xf32, #tpu.memory_space<vmem_shared>>) offsets(%dma_start3A_26 : memref<100xi32, #tpu.memory_space<vmem>>) semaphore(%run_scoped3A : memref<!tpu.dma_semaphore, #tpu.memory_space<semaphore_mem>>) {add = true}
        %dma_wait3A_30 = arith.constant 0 : i32
        %dma_wait3A_31 = tpu.memref_slice %arg8[%scan3A_13, %dma_wait3A_30] : memref<100x100xi32, #tpu.memory_space<vmem>> -> memref<1x100xi32, #tpu.memory_space<vmem>>
        %dma_wait3A_32 = tpu.memref_squeeze %dma_wait3A_31 : memref<1x100xi32, #tpu.memory_space<vmem>> -> memref<100xi32, #tpu.memory_space<vmem>>
        %dma_wait3A_33 = arith.constant 0 : i32
        %dma_wait3A_34 = arith.constant 0 : i32
        %dma_wait3A_35 = tpu.memref_slice %arg10[%dma_wait3A_33, %dma_wait3A_34] : memref<10240x128xf32, #tpu.memory_space<vmem_shared>> -> memref<10240x128xf32, #tpu.memory_space<vmem_shared>>
        tpu.wait_indirect_dma semaphore(%run_scoped3A : memref<!tpu.dma_semaphore, #tpu.memory_space<semaphore_mem>>) src(%arg9 : memref<100x128xf32, #tpu.memory_space<vmem>>) dst(%dma_wait3A_35 : memref<10240x128xf32, #tpu.memory_space<vmem_shared>>)
        tpu.yield
      }) : () -> ()
    }
    %scan3A_7 = arith.constant 100 : i32
    %barrier3A_8 = arith.constant 0 : index
    tpu.barrier barrier_id(%barrier3A_8)
    %mul3A_9 = arith.constant 640 : i32
    %mul3A_10 = arith.muli %arg1, %mul3A_9 : i32
    %mul3A_11 = arith.constant 640 : i32
    %mul3A_12 = arith.muli %arg1, %mul3A_11 : i32
    "tpu.region"() ({
      %run_scoped3A = tpu.sem_alloc : memref<!tpu.dma_semaphore, #tpu.memory_space<semaphore_mem>>
      %dma_start3A = arith.constant 0 : i32
      %dma_start3A_13 = tpu.memref_slice %arg6[%arg0, %mul3A_12, %dma_start3A] : memref<2x10240x128xf32, #tpu.memory_space<hbm>> -> memref<1x640x128xf32, #tpu.memory_space<hbm>>
      %dma_start3A_14 = tpu.memref_squeeze %dma_start3A_13 : memref<1x640x128xf32, #tpu.memory_space<hbm>> -> memref<640x128xf32, #tpu.memory_space<hbm>>
      %dma_start3A_15 = arith.constant 0 : i32
      %dma_start3A_16 = tpu.memref_slice %arg10[%mul3A_10, %dma_start3A_15] : memref<10240x128xf32, #tpu.memory_space<vmem_shared>> -> memref<640x128xf32, #tpu.memory_space<vmem_shared>>
      tpu.enqueue_dma source(%dma_start3A_16 : memref<640x128xf32, #tpu.memory_space<vmem_shared>>) target(%dma_start3A_14 : memref<640x128xf32, #tpu.memory_space<hbm>>) target_semaphore(%run_scoped3A : memref<!tpu.dma_semaphore, #tpu.memory_space<semaphore_mem>>)
      %dma_wait3A = arith.constant 0 : i32
      %dma_wait3A_17 = tpu.memref_slice %arg6[%arg0, %mul3A_12, %dma_wait3A] : memref<2x10240x128xf32, #tpu.memory_space<hbm>> -> memref<1x640x128xf32, #tpu.memory_space<hbm>>
      %dma_wait3A_18 = tpu.memref_squeeze %dma_wait3A_17 : memref<1x640x128xf32, #tpu.memory_space<hbm>> -> memref<640x128xf32, #tpu.memory_space<hbm>>
      %dma_wait3A_19 = arith.constant 0 : i32
      %dma_wait3A_20 = tpu.memref_slice %arg10[%mul3A_10, %dma_wait3A_19] : memref<10240x128xf32, #tpu.memory_space<vmem_shared>> -> memref<640x128xf32, #tpu.memory_space<vmem_shared>>
      tpu.wait_dma2 semaphore(%run_scoped3A : memref<!tpu.dma_semaphore, #tpu.memory_space<semaphore_mem>>) src(%dma_wait3A_20 : memref<640x128xf32, #tpu.memory_space<vmem_shared>>) dst(%dma_wait3A_18 : memref<640x128xf32, #tpu.memory_space<hbm>>)
      tpu.yield
    }) : () -> ()
    return
  }
}

module attributes {stable_mosaic.version = 14 : i64} {
  func.func @_layer1_body(%arg0: i32, %arg1: memref<1000x1xi32, #tpu.memory_space<vmem>>, %arg2: memref<2x1000x128xf32, #tpu.memory_space<vmem>>, %arg3: memref<128x128xf32, #tpu.memory_space<vmem>>, %arg4: memref<128x128xf32, #tpu.memory_space<vmem>>, %arg5: memref<128x128xf32, #tpu.memory_space<vmem>>, %arg6: memref<1x128xf32, #tpu.memory_space<vmem>>, %arg7: memref<1000x128xf32, #tpu.memory_space<vmem>>, %arg8: memref<1000x1xf32, #tpu.memory_space<vmem>>) attributes {dimension_semantics = [#tpu.dimension_semantics<arbitrary>], iteration_bounds = array<i64: 10>, scalar_prefetch = 0 : i64, scratch_operands = 0 : i64, tpu.core_type = #tpu.core_type<tc>, window_params = [{transform_indices = @transform_0, window_bounds = array<i64: 1000, 1>}, {transform_indices = @transform_1, window_bounds = array<i64: 2, 1000, 128>}, {pipeline_mode = #tpu.pipeline_mode<synchronous>, transform_indices = @transform_2, window_bounds = array<i64: 128, 128>}, {pipeline_mode = #tpu.pipeline_mode<synchronous>, transform_indices = @transform_3, window_bounds = array<i64: 128, 128>}, {pipeline_mode = #tpu.pipeline_mode<synchronous>, transform_indices = @transform_4, window_bounds = array<i64: 128, 128>}, {pipeline_mode = #tpu.pipeline_mode<synchronous>, transform_indices = @transform_5, window_bounds = array<i64: 1, 128>}, {transform_indices = @transform_6, window_bounds = array<i64: 1000, 128>}, {transform_indices = @transform_7, window_bounds = array<i64: 1000, 1>}]} {
    %get3A = arith.constant 0 : index
    %get3A_0 = arith.constant 0 : index
    %get3A_1 = arith.constant 0 : index
    %get3A_2 = vector.load %arg2[%get3A, %get3A_0, %get3A_1] : memref<2x1000x128xf32, #tpu.memory_space<vmem>>, vector<1x1000x128xf32>
    %get3A_3 = vector.shape_cast %get3A_2 : vector<1x1000x128xf32> to vector<1000x128xf32>
    %get3A_4 = arith.constant 1 : index
    %get3A_5 = arith.constant 0 : index
    %get3A_6 = arith.constant 0 : index
    %get3A_7 = vector.load %arg2[%get3A_4, %get3A_5, %get3A_6] : memref<2x1000x128xf32, #tpu.memory_space<vmem>>, vector<1x1000x128xf32>
    %get3A_8 = vector.shape_cast %get3A_7 : vector<1x1000x128xf32> to vector<1000x128xf32>
    %add3A = arith.addf %get3A_3, %get3A_8 : vector<1000x128xf32>
    %slice3A = vector.extract_strided_slice %add3A {offsets = [0, 16], sizes = [1000, 1], strides = [1, 1]} : vector<1000x128xf32> to vector<1000x1xf32>
    %max3A = arith.constant 1.000000e+00 : f32
    %max3A_9 = vector.broadcast %max3A : f32 to vector<1000x1xf32>
    %max3A_10 = arith.maximumf %slice3A, %max3A_9 : vector<1000x1xf32>
    %div3A = arith.constant 1.000000e+00 : f32
    %div3A_11 = vector.broadcast %div3A : f32 to vector<1000x1xf32>
    %div3A_12 = arith.divf %div3A_11, %max3A_10 : vector<1000x1xf32>
    %get3A_13 = arith.constant 0 : index
    %get3A_14 = arith.constant 0 : index
    %get3A_15 = vector.load %arg3[%get3A_13, %get3A_14] : memref<128x128xf32, #tpu.memory_space<vmem>>, vector<128x128xf32>
    %get3A_16 = arith.constant 0 : index
    %get3A_17 = arith.constant 0 : index
    %get3A_18 = vector.load %arg1[%get3A_16, %get3A_17] : memref<1000x1xi32, #tpu.memory_space<vmem>>, vector<1000x1xi32>
    %iota3A = tpu.iota {dimensions = array<i32: 1>} : vector<1000x128xi32>
    %eq3A = vector.broadcast %get3A_18 : vector<1000x1xi32> to vector<1000x128xi32>
    %eq3A_19 = arith.cmpi eq, %eq3A, %iota3A : vector<1000x128xi32>
    %convert_element_type3A = arith.extui %eq3A_19 : vector<1000x128xi1> to vector<1000x128xi32>
    %convert_element_type3A_20 = arith.sitofp %convert_element_type3A : vector<1000x128xi32> to vector<1000x128xf32>
    %dot_general3A = arith.constant dense<0.000000e+00> : vector<1000x128xf32>
    %dot_general3A_21 = tpu.matmul %convert_element_type3A_20, %get3A_15, %dot_general3A {dimension_numbers = #tpu.dot_dimension_numbers<[1], [0], [0], [1], [0, 0, 1, 1], [], []>, transpose_lhs_hint = false} : vector<1000x128xf32>, vector<128x128xf32>, vector<1000x128xf32> -> vector<1000x128xf32>
    %dot_general3A_22 = arith.constant dense<0.000000e+00> : vector<1000x128xf32>
    %dot_general3A_23 = tpu.matmul %add3A, %get3A_15, %dot_general3A_22 {dimension_numbers = #tpu.dot_dimension_numbers<[1], [0], [0], [1], [0, 0, 1, 1], [], []>, transpose_lhs_hint = false} : vector<1000x128xf32>, vector<128x128xf32>, vector<1000x128xf32> -> vector<1000x128xf32>
    %mul3A = vector.broadcast %div3A_12 : vector<1000x1xf32> to vector<1000x128xf32>
    %mul3A_24 = arith.mulf %dot_general3A_23, %mul3A : vector<1000x128xf32>
    %get3A_25 = arith.constant 0 : index
    %get3A_26 = arith.constant 0 : index
    %get3A_27 = vector.load %arg4[%get3A_25, %get3A_26] : memref<128x128xf32, #tpu.memory_space<vmem>>, vector<128x128xf32>
    %dot_general3A_28 = arith.constant dense<0.000000e+00> : vector<1000x128xf32>
    %dot_general3A_29 = tpu.matmul %dot_general3A_21, %get3A_27, %dot_general3A_28 {dimension_numbers = #tpu.dot_dimension_numbers<[1], [0], [0], [1], [0, 0, 1, 1], [], []>, transpose_lhs_hint = false} : vector<1000x128xf32>, vector<128x128xf32>, vector<1000x128xf32> -> vector<1000x128xf32>
    %get3A_30 = arith.constant 0 : index
    %get3A_31 = arith.constant 0 : index
    %get3A_32 = vector.load %arg5[%get3A_30, %get3A_31] : memref<128x128xf32, #tpu.memory_space<vmem>>, vector<128x128xf32>
    %dot_general3A_33 = arith.constant dense<0.000000e+00> : vector<1000x128xf32>
    %dot_general3A_34 = tpu.matmul %mul3A_24, %get3A_32, %dot_general3A_33 {dimension_numbers = #tpu.dot_dimension_numbers<[1], [0], [0], [1], [0, 0, 1, 1], [], []>, transpose_lhs_hint = false} : vector<1000x128xf32>, vector<128x128xf32>, vector<1000x128xf32> -> vector<1000x128xf32>
    %add3A_35 = arith.addf %dot_general3A_29, %dot_general3A_34 : vector<1000x128xf32>
    %get3A_36 = arith.constant 0 : index
    %get3A_37 = arith.constant 0 : index
    %get3A_38 = vector.load %arg6[%get3A_36, %get3A_37] : memref<1x128xf32, #tpu.memory_space<vmem>>, vector<1x128xf32>
    %add3A_39 = vector.broadcast %get3A_38 : vector<1x128xf32> to vector<1000x128xf32>
    %add3A_40 = arith.addf %add3A_35, %add3A_39 : vector<1000x128xf32>
    %max3A_41 = arith.constant 0.000000e+00 : f32
    %max3A_42 = vector.broadcast %max3A_41 : f32 to vector<1000x128xf32>
    %max3A_43 = arith.maximumf %add3A_40, %max3A_42 : vector<1000x128xf32>
    %swap3A = arith.constant 0 : index
    %swap3A_44 = arith.constant 0 : index
    %swap3A_45 = vector.load %arg7[%swap3A, %swap3A_44] : memref<1000x128xf32, #tpu.memory_space<vmem>>, vector<1000x128xf32>
    tpu.vector_store %arg7[%swap3A, %swap3A_44], %max3A_43 {strides = array<i32>} : memref<1000x128xf32, #tpu.memory_space<vmem>>, vector<1000x128xf32>,
    %swap3A_46 = arith.constant 0 : index
    %swap3A_47 = arith.constant 0 : index
    %swap3A_48 = vector.load %arg8[%swap3A_46, %swap3A_47] : memref<1000x1xf32, #tpu.memory_space<vmem>>, vector<1000x1xf32>
    tpu.vector_store %arg8[%swap3A_46, %swap3A_47], %div3A_12 {strides = array<i32>} : memref<1000x1xf32, #tpu.memory_space<vmem>>, vector<1000x1xf32>,
    return
  }
  func.func @transform_0(%arg0: i32) -> (i32, i32) {
    %c0_i32 = arith.constant 0 : i32
    %c0_i32_0 = arith.constant 0 : i32
    return %arg0, %c0_i32 : i32, i32
  }
  func.func @transform_1(%arg0: i32) -> (i32, i32, i32) {
    %c0_i32 = arith.constant 0 : i32
    %c0_i32_0 = arith.constant 0 : i32
    %c0_i32_1 = arith.constant 0 : i32
    return %c0_i32, %arg0, %c0_i32_0 : i32, i32, i32
  }
  func.func @transform_2(%arg0: i32) -> (i32, i32) {
    %c0_i32 = arith.constant 0 : i32
    %c0_i32_0 = arith.constant 0 : i32
    %c0_i32_1 = arith.constant 0 : i32
    return %c0_i32, %c0_i32_0 : i32, i32
  }
  func.func @transform_3(%arg0: i32) -> (i32, i32) {
    %c0_i32 = arith.constant 0 : i32
    %c0_i32_0 = arith.constant 0 : i32
    %c0_i32_1 = arith.constant 0 : i32
    return %c0_i32, %c0_i32_0 : i32, i32
  }
  func.func @transform_4(%arg0: i32) -> (i32, i32) {
    %c0_i32 = arith.constant 0 : i32
    %c0_i32_0 = arith.constant 0 : i32
    %c0_i32_1 = arith.constant 0 : i32
    return %c0_i32, %c0_i32_0 : i32, i32
  }
  func.func @transform_5(%arg0: i32) -> (i32, i32) {
    %c0_i32 = arith.constant 0 : i32
    %c0_i32_0 = arith.constant 0 : i32
    %c0_i32_1 = arith.constant 0 : i32
    return %c0_i32, %c0_i32_0 : i32, i32
  }
  func.func @transform_6(%arg0: i32) -> (i32, i32) {
    %c0_i32 = arith.constant 0 : i32
    %c0_i32_0 = arith.constant 0 : i32
    return %arg0, %c0_i32 : i32, i32
  }
  func.func @transform_7(%arg0: i32) -> (i32, i32) {
    %c0_i32 = arith.constant 0 : i32
    %c0_i32_0 = arith.constant 0 : i32
    return %arg0, %c0_i32 : i32, i32
  }
}

module attributes {stable_mosaic.version = 14 : i64} {
  func.func @_dense_body(%arg0: i32, %arg1: memref<1000x128xf32, #tpu.memory_space<vmem>>, %arg2: memref<2x1000x128xf32, #tpu.memory_space<vmem>>, %arg3: memref<1000x1xf32, #tpu.memory_space<vmem>>, %arg4: memref<128x128xf32, #tpu.memory_space<vmem>>, %arg5: memref<128x128xf32, #tpu.memory_space<vmem>>, %arg6: memref<1x128xf32, #tpu.memory_space<vmem>>, %arg7: memref<1000x128xf32, #tpu.memory_space<vmem>>) attributes {dimension_semantics = [#tpu.dimension_semantics<arbitrary>], iteration_bounds = array<i64: 10>, scalar_prefetch = 0 : i64, scratch_operands = 0 : i64, tpu.core_type = #tpu.core_type<tc>, window_params = [{transform_indices = @transform_0, window_bounds = array<i64: 1000, 128>}, {transform_indices = @transform_1, window_bounds = array<i64: 2, 1000, 128>}, {transform_indices = @transform_2, window_bounds = array<i64: 1000, 1>}, {pipeline_mode = #tpu.pipeline_mode<synchronous>, transform_indices = @transform_3, window_bounds = array<i64: 128, 128>}, {pipeline_mode = #tpu.pipeline_mode<synchronous>, transform_indices = @transform_4, window_bounds = array<i64: 128, 128>}, {pipeline_mode = #tpu.pipeline_mode<synchronous>, transform_indices = @transform_5, window_bounds = array<i64: 1, 128>}, {transform_indices = @transform_6, window_bounds = array<i64: 1000, 128>}]} {
    %get3A = arith.constant 0 : index
    %get3A_0 = arith.constant 0 : index
    %get3A_1 = arith.constant 0 : index
    %get3A_2 = vector.load %arg2[%get3A, %get3A_0, %get3A_1] : memref<2x1000x128xf32, #tpu.memory_space<vmem>>, vector<1x1000x128xf32>
    %get3A_3 = vector.shape_cast %get3A_2 : vector<1x1000x128xf32> to vector<1000x128xf32>
    %get3A_4 = arith.constant 1 : index
    %get3A_5 = arith.constant 0 : index
    %get3A_6 = arith.constant 0 : index
    %get3A_7 = vector.load %arg2[%get3A_4, %get3A_5, %get3A_6] : memref<2x1000x128xf32, #tpu.memory_space<vmem>>, vector<1x1000x128xf32>
    %get3A_8 = vector.shape_cast %get3A_7 : vector<1x1000x128xf32> to vector<1000x128xf32>
    %add3A = arith.addf %get3A_3, %get3A_8 : vector<1000x128xf32>
    %get3A_9 = arith.constant 0 : index
    %get3A_10 = arith.constant 0 : index
    %get3A_11 = vector.load %arg3[%get3A_9, %get3A_10] : memref<1000x1xf32, #tpu.memory_space<vmem>>, vector<1000x1xf32>
    %mul3A = vector.broadcast %get3A_11 : vector<1000x1xf32> to vector<1000x128xf32>
    %mul3A_12 = arith.mulf %add3A, %mul3A : vector<1000x128xf32>
    %get3A_13 = arith.constant 0 : index
    %get3A_14 = arith.constant 0 : index
    %get3A_15 = vector.load %arg1[%get3A_13, %get3A_14] : memref<1000x128xf32, #tpu.memory_space<vmem>>, vector<1000x128xf32>
    %get3A_16 = arith.constant 0 : index
    %get3A_17 = arith.constant 0 : index
    %get3A_18 = vector.load %arg4[%get3A_16, %get3A_17] : memref<128x128xf32, #tpu.memory_space<vmem>>, vector<128x128xf32>
    %dot_general3A = arith.constant dense<0.000000e+00> : vector<1000x128xf32>
    %dot_general3A_19 = tpu.matmul %get3A_15, %get3A_18, %dot_general3A {dimension_numbers = #tpu.dot_dimension_numbers<[1], [0], [0], [1], [0, 0, 1, 1], [], []>, transpose_lhs_hint = false} : vector<1000x128xf32>, vector<128x128xf32>, vector<1000x128xf32> -> vector<1000x128xf32>
    %get3A_20 = arith.constant 0 : index
    %get3A_21 = arith.constant 0 : index
    %get3A_22 = vector.load %arg5[%get3A_20, %get3A_21] : memref<128x128xf32, #tpu.memory_space<vmem>>, vector<128x128xf32>
    %dot_general3A_23 = arith.constant dense<0.000000e+00> : vector<1000x128xf32>
    %dot_general3A_24 = tpu.matmul %mul3A_12, %get3A_22, %dot_general3A_23 {dimension_numbers = #tpu.dot_dimension_numbers<[1], [0], [0], [1], [0, 0, 1, 1], [], []>, transpose_lhs_hint = false} : vector<1000x128xf32>, vector<128x128xf32>, vector<1000x128xf32> -> vector<1000x128xf32>
    %add3A_25 = arith.addf %dot_general3A_19, %dot_general3A_24 : vector<1000x128xf32>
    %get3A_26 = arith.constant 0 : index
    %get3A_27 = arith.constant 0 : index
    %get3A_28 = vector.load %arg6[%get3A_26, %get3A_27] : memref<1x128xf32, #tpu.memory_space<vmem>>, vector<1x128xf32>
    %add3A_29 = vector.broadcast %get3A_28 : vector<1x128xf32> to vector<1000x128xf32>
    %add3A_30 = arith.addf %add3A_25, %add3A_29 : vector<1000x128xf32>
    %max3A = arith.constant 0.000000e+00 : f32
    %max3A_31 = vector.broadcast %max3A : f32 to vector<1000x128xf32>
    %max3A_32 = arith.maximumf %add3A_30, %max3A_31 : vector<1000x128xf32>
    %swap3A = arith.constant 0 : index
    %swap3A_33 = arith.constant 0 : index
    %swap3A_34 = vector.load %arg7[%swap3A, %swap3A_33] : memref<1000x128xf32, #tpu.memory_space<vmem>>, vector<1000x128xf32>
    tpu.vector_store %arg7[%swap3A, %swap3A_33], %max3A_32 {strides = array<i32>} : memref<1000x128xf32, #tpu.memory_space<vmem>>, vector<1000x128xf32>,
    return
  }
  func.func @transform_0(%arg0: i32) -> (i32, i32) {
    %c0_i32 = arith.constant 0 : i32
    %c0_i32_0 = arith.constant 0 : i32
    return %arg0, %c0_i32 : i32, i32
  }
  func.func @transform_1(%arg0: i32) -> (i32, i32, i32) {
    %c0_i32 = arith.constant 0 : i32
    %c0_i32_0 = arith.constant 0 : i32
    %c0_i32_1 = arith.constant 0 : i32
    return %c0_i32, %arg0, %c0_i32_0 : i32, i32, i32
  }
  func.func @transform_2(%arg0: i32) -> (i32, i32) {
    %c0_i32 = arith.constant 0 : i32
    %c0_i32_0 = arith.constant 0 : i32
    return %arg0, %c0_i32 : i32, i32
  }
  func.func @transform_3(%arg0: i32) -> (i32, i32) {
    %c0_i32 = arith.constant 0 : i32
    %c0_i32_0 = arith.constant 0 : i32
    %c0_i32_1 = arith.constant 0 : i32
    return %c0_i32, %c0_i32_0 : i32, i32
  }
  func.func @transform_4(%arg0: i32) -> (i32, i32) {
    %c0_i32 = arith.constant 0 : i32
    %c0_i32_0 = arith.constant 0 : i32
    %c0_i32_1 = arith.constant 0 : i32
    return %c0_i32, %c0_i32_0 : i32, i32
  }
  func.func @transform_5(%arg0: i32) -> (i32, i32) {
    %c0_i32 = arith.constant 0 : i32
    %c0_i32_0 = arith.constant 0 : i32
    %c0_i32_1 = arith.constant 0 : i32
    return %c0_i32, %c0_i32_0 : i32, i32
  }
  func.func @transform_6(%arg0: i32) -> (i32, i32) {
    %c0_i32 = arith.constant 0 : i32
    %c0_i32_0 = arith.constant 0 : i32
    return %arg0, %c0_i32 : i32, i32
  }
}

module attributes {stable_mosaic.version = 14 : i64} {
  func.func @_head_body(%arg0: memref<2048x128xf32, #tpu.memory_space<vmem>>, %arg1: memref<128x128xf32, #tpu.memory_space<vmem>>, %arg2: memref<128x128xf32, #tpu.memory_space<vmem>>, %arg3: memref<1x128xf32, #tpu.memory_space<vmem>>, %arg4: memref<128x1xf32, #tpu.memory_space<vmem>>, %arg5: memref<1x1xf32, #tpu.memory_space<vmem>>, %arg6: memref<1024x1xf32, #tpu.memory_space<vmem>>) attributes {dimension_semantics = [], scalar_prefetch = 0 : i64, scratch_operands = 0 : i64, tpu.core_type = #tpu.core_type<tc>} {
    %get3A = arith.constant 0 : index
    %get3A_0 = arith.constant 0 : index
    %get3A_1 = vector.load %arg0[%get3A, %get3A_0] : memref<2048x128xf32, #tpu.memory_space<vmem>>, vector<2048x128xf32>
    %slice3A = vector.extract_strided_slice %get3A_1 {offsets = [0, 0], sizes = [1024, 128], strides = [1, 1]} : vector<2048x128xf32> to vector<1024x128xf32>
    %slice3A_2 = vector.extract_strided_slice %get3A_1 {offsets = [1024, 0], sizes = [1024, 128], strides = [1, 1]} : vector<2048x128xf32> to vector<1024x128xf32>
    %get3A_3 = arith.constant 0 : index
    %get3A_4 = arith.constant 0 : index
    %get3A_5 = vector.load %arg1[%get3A_3, %get3A_4] : memref<128x128xf32, #tpu.memory_space<vmem>>, vector<128x128xf32>
    %dot_general3A = arith.constant dense<0.000000e+00> : vector<1024x128xf32>
    %dot_general3A_6 = tpu.matmul %slice3A, %get3A_5, %dot_general3A {dimension_numbers = #tpu.dot_dimension_numbers<[1], [0], [0], [1], [0, 0, 1, 1], [], []>, transpose_lhs_hint = false} : vector<1024x128xf32>, vector<128x128xf32>, vector<1024x128xf32> -> vector<1024x128xf32>
    %get3A_7 = arith.constant 0 : index
    %get3A_8 = arith.constant 0 : index
    %get3A_9 = vector.load %arg2[%get3A_7, %get3A_8] : memref<128x128xf32, #tpu.memory_space<vmem>>, vector<128x128xf32>
    %dot_general3A_10 = arith.constant dense<0.000000e+00> : vector<1024x128xf32>
    %dot_general3A_11 = tpu.matmul %slice3A_2, %get3A_9, %dot_general3A_10 {dimension_numbers = #tpu.dot_dimension_numbers<[1], [0], [0], [1], [0, 0, 1, 1], [], []>, transpose_lhs_hint = false} : vector<1024x128xf32>, vector<128x128xf32>, vector<1024x128xf32> -> vector<1024x128xf32>
    %add3A = arith.addf %dot_general3A_6, %dot_general3A_11 : vector<1024x128xf32>
    %get3A_12 = arith.constant 0 : index
    %get3A_13 = arith.constant 0 : index
    %get3A_14 = vector.load %arg3[%get3A_12, %get3A_13] : memref<1x128xf32, #tpu.memory_space<vmem>>, vector<1x128xf32>
    %add3A_15 = vector.broadcast %get3A_14 : vector<1x128xf32> to vector<1024x128xf32>
    %add3A_16 = arith.addf %add3A, %add3A_15 : vector<1024x128xf32>
    %max3A = arith.constant 0.000000e+00 : f32
    %max3A_17 = vector.broadcast %max3A : f32 to vector<1024x128xf32>
    %max3A_18 = arith.maximumf %add3A_16, %max3A_17 : vector<1024x128xf32>
    %get3A_19 = arith.constant 0 : index
    %get3A_20 = arith.constant 0 : index
    %get3A_21 = vector.load %arg4[%get3A_19, %get3A_20] : memref<128x1xf32, #tpu.memory_space<vmem>>, vector<128x1xf32>
    %dot_general3A_22 = arith.constant dense<0.000000e+00> : vector<1024x1xf32>
    %dot_general3A_23 = tpu.matmul %max3A_18, %get3A_21, %dot_general3A_22 {dimension_numbers = #tpu.dot_dimension_numbers<[1], [0], [0], [1], [0, 0, 1, 1], [], []>, transpose_lhs_hint = false} : vector<1024x128xf32>, vector<128x1xf32>, vector<1024x1xf32> -> vector<1024x1xf32>
    %get3A_24 = arith.constant 0 : index
    %get3A_25 = arith.constant 0 : index
    %get3A_26 = vector.load %arg5[%get3A_24, %get3A_25] : memref<1x1xf32, #tpu.memory_space<vmem>>, vector<1x1xf32>
    %add3A_27 = vector.broadcast %get3A_26 : vector<1x1xf32> to vector<1024x1xf32>
    %add3A_28 = arith.addf %dot_general3A_23, %add3A_27 : vector<1024x1xf32>
    %swap3A = arith.constant 0 : index
    %swap3A_29 = arith.constant 0 : index
    %swap3A_30 = vector.load %arg6[%swap3A, %swap3A_29] : memref<1024x1xf32, #tpu.memory_space<vmem>>, vector<1024x1xf32>
    tpu.vector_store %arg6[%swap3A, %swap3A_29], %add3A_28 {strides = array<i32>} : memref<1024x1xf32, #tpu.memory_space<vmem>>, vector<1024x1xf32>,
    return
  }
}

</mosaic_0001>

<sc_bundles>
// kernel: kernel.10.cloned.1.call-start
scs
__scs_entry_jumppad:
0x0: {  	(pc) =	sbr.rel $0x88, $3  }
0x1: {  	(tag) =	ssettag $0x0;
	lr =	simm.s32 $0x1  }
0x2: {  	[smem:$0x3F8D] =	sst lr;
	_ =	strace $0xD0000000  }
0x3: {  	_ = 	snop  }
0x4: {  	_ = 	snop  }
0x5: {  	_ = 	snop  }
0x6: {  	_ = 	snop  }
0x7: {  	_ = 	snop  }
__scs_overlays_trampoline_lowered:
0x8: {  	[smem:$0x3F9C] =	sst s0  }
0x9: {  	[smem:$0x3F9D] =	sst s1  }
0xa: {  	[smem:$0x3F9E] =	sst s2  }
0xb: {  	[smem:$0x3F9F] =	sst s3  }
0xc: {  	[smem:$0x3FA0] =	sst s4  }
0xd: {  	[smem:$0x3FA1] =	sst s5  }
0xe: {  	[smem:$0x3FA2] =	sst s6  }
0xf: {  	[smem:$0x3FA3] =	sst s7  }
0x10: {  	[smem:$0x3FA4] =	sst s8  }
0x11: {  	[smem:$0x3FA5] =	sst s9;
	s0 =	simm.s32 @!p0 $0x0  }
0x12: {  	s1 =	sld [smem:$0x3F8B];
	s0 =	simm.s32 @p0 $0x1  }
0x13: {  	[smem:$0x3FA6] =	sst s0;
	s0 =	simm.s32 @!p1 $0x0  }
0x14: {  	s2 =	sld [smem:$0x3F8A];
	s0 =	simm.s32 @p1 $0x1  }
0x15: {  	[smem:$0x3FA7] =	sst s0;
	s0 =	simm.s32 @!p2 $0x0  }
0x16: {  	s3 =	sld [smem:$0x3FDB];
	s0 =	simm.s32 @p2 $0x1  }
0x17: {  	s4 =	simm.s32 $0x1BF5;
	[smem:$0x3FA9] =	sst s0  }
0x18: {  	s0 =	sld [smem:$0x3F8C];
	_ =	swait.ge [sflag:s4], $0x0  }
0x19: {  	s7 =	sld [smem:$0x3F8D]  }
0x1a: {  	s8 =	sadd.s32 $0xFFFFE003, lr  }
0x1b: {  	s9 =	sadd.s32 $0xFFFFFEF7, lr;
	s5 =	simm.s32 $0xFFFFFFFF;
	p2 =	slt.u32 s8, $0xFFFFF086  }
0x1c: {  	p1 =	slt.u32 s9, $0xF7A;
	s5 =	simm.s32 @!p2 $0x0  }
0x1d: {  	s5 =	simm.s32 @p1 $0x1;
	p0 =	seq.s32 s7, s2  }
0x1e: {  	s7 =	smul.u32 @!p0 $0xF7A, s2;
	p2 =	seq.s32 @!p0 s5, $0x0  }
0x1f: {  	s9 =	smul.u32 $0xF7A, s1;
	s8 =	simm.s32 @!p0 $0x1BF5;
	p2 =	por !p2, p0  }
0x20: {  	[sflag:s8] =	ssyncset.s32 @!p0 $0xFFFFF086;
	s6 =	sadd.s32 @!p0 s3, s7;
	s7 =	simm.s32 @!p0 $0x108  }
0x21: {  	s3 =	sadd.s32 s3, s9;
	s6 =	sadd.s32 @!p0 $0x88, s6;
	s7 =	simm.s32 @p2 $0x1082  }
0x22: {  	[simem:s7], [sflag:s8] =	dma.local @!p0 [hbm:s6], $0xF7A  }
0x23: {  	s9 =	sor.u32 $0xD0000000, s2;
	s6 =	simm.s32 $0x108;
	_ =	swait.ge @!p0 [sflag:s8], $0x0  }
0x24: {  	s3 =	sadd.s32 $0x88, s3;
	s6 =	simm.s32 @!p1 $0x1082;
	[sflag:s4] =	ssyncset.s32 $0xFFFFF086  }
0x25: {  	[simem:s6], [sflag:s4] =	dma.local [hbm:s3], $0xF7A  }
0x26: {  	[smem:$0x3F8D] =	sst s1;
	(tag) =	ssettag s2;
	_ =	strace s9  }
0x27: {  	s1 =	sld [smem:$0x3F9D]  }
0x28: {  	s2 =	sld [smem:$0x3F9E]  }
0x29: {  	s4 =	sld [smem:$0x3FA0]  }
0x2a: {  	p0 =	seq.s32 s5, $0x0;
	s5 =	sld [smem:$0x3FA1]  }
0x2b: {  	s6 =	sld [smem:$0x3FA2]  }
0x2c: {  	s7 =	sld [smem:$0x3FA3]  }
0x2d: {  	s3 =	simm.s32 $0x108;
	s8 =	sld [smem:$0x3FA4]  }
0x2e: {  	s3 =	simm.s32 @!p0 $0x1082;
	s9 =	sld [smem:$0x3FA5]  }
0x2f: {  	lr =	sadd.s32 s0, s3;
	s0 =	sld [smem:$0x3F9C]  }
0x30: {  	s3 =	sld [smem:$0x3F9F]  }
0x31: {  	[smem:$0x3FA8] =	sst s10  }
0x32: {  	s10 =	sld [smem:$0x3FA6];
	_ =	sdelay $0x3  }
0x33: {  	p0 =	seq.s32 s10, $0x1;
	s10 =	sld [smem:$0x3FA8];
	_ =	sdelay $0x3  }
0x34: {  	[smem:$0x3FA8] =	sst s10  }
0x35: {  	s10 =	sld [smem:$0x3FA7];
	_ =	sdelay $0x3  }
0x36: {  	p1 =	seq.s32 s10, $0x1;
	s10 =	sld [smem:$0x3FA8];
	_ =	sdelay $0x3  }
0x37: {  	[smem:$0x3FA8] =	sst s10  }
0x38: {  	s10 =	sld [smem:$0x3FA9]  }
0x39: {  	_ = 	snop;
	(pc) =	sbr.ind lr, $3  }
0x3a: {  	_ = 	snop  }
0x3b: {  	_ = 	snop  }
0x3c: {  	p2 =	seq.s32 s10, $0x1;
	s10 =	sld [smem:$0x3FA8]  }
0x3d: {  	_ =	shalt  }
0x3e: {  	_ =	shalt  }
0x3f: {  	_ =	shalt  }
0x40: {  	_ =	shalt  }
0x41: {  	_ =	shalt  }
0x42: {  	_ =	shalt  }
0x43: {  	_ =	shalt  }
0x44: {  	_ =	shalt  }
0x45: {  	_ =	shalt  }
0x46: {  	_ =	shalt  }
0x47: {  	_ =	shalt  }
0x48: {  	_ =	shalt  }
0x49: {  	_ =	shalt  }
0x4a: {  	_ =	shalt  }
0x4b: {  	_ =	shalt  }
0x4c: {  	_ =	shalt  }
0x4d: {  	_ =	shalt  }
0x4e: {  	_ =	shalt  }
0x4f: {  	_ =	shalt  }
0x50: {  	_ =	shalt  }
0x51: {  	_ =	shalt  }
0x52: {  	_ =	shalt  }
0x53: {  	_ =	shalt  }
0x54: {  	_ =	shalt  }
0x55: {  	_ =	shalt  }
0x56: {  	_ =	shalt  }
0x57: {  	_ =	shalt  }
0x58: {  	_ =	shalt  }
0x59: {  	_ =	shalt  }
0x5a: {  	_ =	shalt  }
0x5b: {  	_ =	shalt  }
0x5c: {  	_ =	shalt  }
0x5d: {  	_ =	shalt  }
0x5e: {  	_ =	shalt  }
0x5f: {  	_ =	shalt  }
0x60: {  	_ =	shalt  }
0x61: {  	_ =	shalt  }
0x62: {  	_ =	shalt  }
0x63: {  	_ =	shalt  }
0x64: {  	_ =	shalt  }
0x65: {  	_ =	shalt  }
0x66: {  	_ =	shalt  }
0x67: {  	_ =	shalt  }
0x68: {  	_ =	shalt  }
0x69: {  	_ =	shalt  }
0x6a: {  	_ =	shalt  }
0x6b: {  	_ =	shalt  }
0x6c: {  	_ =	shalt  }
0x6d: {  	_ =	shalt  }
0x6e: {  	_ =	shalt  }
0x6f: {  	_ =	shalt  }
0x70: {  	_ =	shalt  }
0x71: {  	_ =	shalt  }
0x72: {  	_ =	shalt  }
0x73: {  	_ =	shalt  }
0x74: {  	_ =	shalt  }
0x75: {  	_ =	shalt  }
0x76: {  	_ =	shalt  }
0x77: {  	_ =	shalt  }
0x78: {  	_ =	shalt  }
0x79: {  	_ =	shalt  }
0x7a: {  	_ =	shalt  }
0x7b: {  	_ =	shalt  }
0x7c: {  	_ =	shalt  }
0x7d: {  	_ =	shalt  }
0x7e: {  	_ =	shalt  }
0x7f: {  	_ =	shalt  }
0x80: {  	_ =	shalt  }
0x81: {  	_ =	shalt  }
0x82: {  	_ =	shalt  }
0x83: {  	_ =	shalt  }
0x84: {  	_ =	shalt  }
0x85: {  	_ =	shalt  }
0x86: {  	_ =	shalt  }
0x87: {  	_ =	shalt  }
.Lfunc_end0:
.L_simem_size_0:
called_computation_lowered:
.L_overlay_start_0:
0x88: {  	s2 =	sld [smem:$0x3FD9]  }
0x89: {  	s3 =	sld [smem:$0x3FFE];
	_ =	sdelay $0x1  }
0x8a: {  	s1 =	srdreg.scid  }
0x8b: {  	s0 =	sand.u32 $0x1, s1  }
0x8c: {  	s16 =	sshll.u32 s0, $0xA;
	s2 =	sadd.s32 s3, s2  }
0x8d: {  	s2 =	sadd.s32 s2, s16  }
0x8e: {  	[smem:$0x3FB4] =	sst s2  }
0x8f: {  	_ = 	snop  }
0x90: {  	(tm) =	ssettm $0x1  }
0x91: {  	s17 =	sld [smem:$0x3FFB];
	_ =	sdelay $0x3  }
0x92: {  	_ =	strace s17  }
0x93: {  	s2 =	sld [smem:$0x3FFC];
	_ =	sdelay $0x3  }
0x94: {  	_ =	strace s2  }
0x95: {  	s2 =	sld [smem:$0x3FFD];
	_ =	sdelay $0x3  }
0x96: {  	_ =	strace s2  }
0x97: {  	_ =	strace $0x8FFFFFFF  }
0x98: {  	s18 =	sld [smem:$0x3FDB];
	_ =	sdelay $0x1  }
0x99: {  	s19 =	simm.s32 $_scs_section_size  }
0x9a: {  	s4 =	simm.s32 $_size__tile_overlayer_lowered;
	s5 =	simm.s32 $_tile_overlayer_lowered  }
0x9b: {  	s22 =	simm.s32 $0x1BFF;
	s21 =	sshll.u32 s5, $0x1;
	s2 =	sadd.s32 s19, s18  }
0x9c: {  	s6 =	simm.s32 $0x0;
	s20 =	sshll.u32 s4, $0x1;
	s4 =	sadd.s32 s21, s2  }
0x9d: {  	[timem:s6], [sflag:s22] =	dma.local [hbm:s4], s20  }
0x9e: {  	_ =	swait.ge [sflag:s22], s20  }
0x9f: {  	s3 =	ssub.s32 $0x0, s20;
	[sflag:s22] =	ssyncset.done $0x0  }
0xa0: {  	[sflag:s22] =	ssyncadd.s32 s3;
	_ =	sdelay $0x1  }
0xa1: {  	s23 =	simm.s32 $0x1B8B  }
0xa2: {  	_ =	swait.ge [sflag:s23], $0x1  }
0xa3: {  	[sflag:s23] =	ssyncset.done $0x0  }
0xa4: {  	s25 =	simm.s32 $0x1B8E;
	s24 =	sld [smem:$0x3FFE];
	[sflag:s23] =	ssyncadd.s32 $0xFFFFFFFF  }
0xa5: {  	s26 =	simm.s32 $execute0_lowered;
	[smem:$0x3FD2] =	sst s25  }
0xa6: {  	s4 =	sshll.u32 s26, $0x1;
	_ =	strace $0x80000046;
	[dreg:$0x1] =	wrdreg $0xFFFFFFFF  }
0xa7: {  	s28 =	simm.s32 $_size_execute0_lowered;
	s2 =	sadd.s32 s2, s4;
	[dreg:$0x0] =	wrdreg $0x0  }
0xa8: {  	s4 =	sshll.u32 s28, $0x1;
	[dreg:$0x2] =	wrdreg s2  }
0xa9: {  	[dreg:$0x3] =	wrdreg s4  }
0xaa: {  	[dreg:$0x4] =	wrdreg $0xC0  }
0xab: {  	_ =	task [dreg:s6], $0x5FFFF  }
0xac: {  	[dreg:$0x1] =	wrdreg $0xFFFFFFFF  }
0xad: {  	[dreg:$0x0] =	wrdreg $0x60  }
0xae: {  	[dreg:$0x2] =	wrdreg s24  }
0xaf: {  	[dreg:$0x3] =	wrdreg $0x9C000  }
0xb0: {  	[dreg:$0x4] =	wrdreg $0x9  }
0xb1: {  	_ =	task.clear_ibuf [dreg:s6], $0x5FFFF;
	_ =	strace $0x90000046  }
0xb2: {  	s29 =	simm.s32 $0x9;
	_ =	strace $0x80000048  }
0xb3: {  	_ =	swait.ge [sflag:s29], $0x1  }
0xb4: {  	[sflag:s29] =	ssyncadd.s32 $0xFFFFFFFF  }
0xb5: {  	_ =	strace $0x90000048  }
0xb6: {  	_ =	sfence  }
0xb7: {  	s30 =	sld [smem:$0x0];
	_ =	sdelay $0x2  }
0xb8: {  	s31 =	sshll.u32 s1, $0xD;
	s1 =	sshrl.u32 s1, $0x2  }
0xb9: {  	s3 =	sand.u32 $0x4000, s31;
	s1 =	sadd.s32 s1, s30  }
0xba: {  	s0 =	sor.u32 s3, s0;
	s1 =	sshll.u32 s1, $0x11  }
0xbb: {  	s0 =	sor.u32 s1, s0  }
0xbc: {  	s0 =	sadd.s32 $0x8F2B, s0  }
0xbd: {  	[sflag:s0] =	ssyncadd.remote.s32 $0x1  }
0xbe: {  	_ =	sfence.sel $0xFFFF  }
0xbf: {  	[dreg:$0x0] =	wrdreg $0xFFFFFFFF;
	(pc) =	sbr.abs _section_cstart, $3  }
0xc0: {  	[dreg:$0x1] =	wrdreg $0xFFFFFFFF  }
0xc1: {  	_ =	task.clear_ibuf [dreg:s6], $0x2FFFF;
	_ =	strace $0x9FFFFFFF  }
0xc2: {  	(tm) =	ssettm $0x7FFFFFFF  }
0xc3: {  	_ =	shalt  }
tec
execute0_lowered:
.L_overlay_start_1:
0x0: {  	(tag) =	ssettag $0x1  }
0x1: {  	s6 =	rddreg [dreg:$0x0]  }
0x2: {  	s0 =	srdreg.scid;
	s2 =	rddreg [dreg:$0x1]  }
0x3: {  	s3 =	simm.s32 $0x0;
	s14 =	simm.s32 $0x64;
	s15 =	simm.s32 $0x6800  }
0x4: {  	s16 =	simm.s32 $0x1;
	s5 =	sand.u32 $0x1, s0;
	s0 =	stileid.u32  }
0x5: {  	s17 =	simm.s32 $0x0;
	[smem:$0x7FF] =	sst s3;
	s8 =	smul.u32 $0x140000, s5  }
0x6: {  	s4 =	sadd.s32 $0x1DC00, s6;
	s1 =	sshll.u32 s5, $0x4;
	s9 =	smul.u32 $0x14000, s0  }
0x7: {  	s30 =	ssub.s32 $0x2, s5;
	s11 =	smul.u32 $0x50000, s0;
	s5 =	sadd.s32 $0x44E00, s6  }
0x8: {  	s12 =	sshll.u32 s0, $0x6;
	s1 =	sor.u32 s0, s1;
	s10 =	sshrl.u32 s30, $0x1  }
0x9: {  	s12 =	sor.u32 $0x1C02, s12;
	s7 =	smul.u32 $0x680, s1;
	s1 =	rddreg [dreg:$0x2]  }
0xa: {  	_ =	strace $0x80000047;
	s8 =	sadd.s32 s9, s8;
	s9 =	ssub.s32 s30, s10  }
0xb: {  	s31 =	sshrl.u32 s11, $0x2;
	s10 =	simm.s32 $0x2;
	s11 =	simm.s32 $0x3400  }
0xc: {  	s8 =	sshrl.u32 s8, $0x3;
	s13 =	sadd.s32 s31, s2;
	s9 =	smax.u32 s9, $0x1  }
0xd: {  	s7 =	sadd.s32 s7, s6;
	s8 =	sadd.s32 s8, s6;
	s13 =	sshrl.u32 s13, $0x3  }
0xe: {  	s6 =	sadd.s32 $0x3C00, s7;
	s7 =	sadd.s32 $0x10C00, s7;
	s8 =	sadd.s32 $0x47600, s8  }
.LBB2_1:
0xf: {  	[tilespmem:s3], [sflag:$0x2] =	stream.linear.gather [hbm4b:s6+s3], $0x3200, $0x38;
	[tilespmem:$0x1DC00] =	vst v63  }
0x10: {  	_ =	swait.ge [sflag:s10], $0x3200  }
0x11: {  	[sflag:s10] =	ssyncset.done $0x0  }
0x12: {  	[sflag:s10] =	ssyncadd.s32 $0xFFFFCE00  }
0x13: {  	[tilespmem:s11], [sflag:$0x2] =	stream.linear.gather [hbm4b:s7+s3], $0x3200, $0x38;
	[tilespmem:$0x1DC00] =	vst v63  }
0x14: {  	_ =	swait.ge [sflag:s10], $0x3200  }
0x15: {  	[sflag:s10] =	ssyncset.done $0x0  }
0x16: {  	[sflag:s10] =	ssyncadd.s32 $0xFFFFCE00  }
0x17: {  	[spmem:s13], [sflag:s12] =	dma.local [hbm:s5], $0x2800  }
0x18: {  	_ =	swait.ge [sflag:s10], $0x2800  }
0x19: {  	[sflag:s10] =	ssyncset.done $0x0  }
0x1a: {  	[sflag:s10] =	ssyncadd.s32 $0xFFFFD800  }
0x1b: {  	s18 =	simm.s32 $0x0;
	[bflag:$0x0] =	sbarrier.arrive $0xFFFF  }
0x1c: {  	[tilespmem:s15], [sflag:$0x1] =	stream.indirect.gather [hbm4b:s4+s14], $0x80, s18, s14, $0xb8;
	[tilespmem:$0x1DC00] =	vst v63  }
0x1d: {  	_ =	swait.ge [sflag:s16], $0x3200  }
0x1e: {  	[sflag:s16] =	ssyncset.done $0x0  }
0x1f: {  	s31 =	simm.s32 $0x3400;
	[sflag:s16] =	ssyncadd.s32 $0xFFFFCE00  }
0x20: {  	[spmem:s2] =	stream.indirect.scatter.add.f32 [tilespmem:s15], [sflag:$0x2], $0x80, s31, s14, $0xb8;
	[tilespmem:$0x1DC00] =	vst v63  }
0x21: {  	_ =	swait.ge [sflag:s10], $0x3200  }
0x22: {  	s19 =	simm.s32 $0x400;
	s18 =	simm.s32 $0x200;
	[sflag:s10] =	ssyncset.done $0x0  }
.LBB2_2:
0x23: {  	s20 =	sshra.s32 s18, $0x2  }
0x24: {  	[sflag:s10] =	ssyncadd.s32 $0xFFFFCE00;
	s18 =	smov.u32 s19;
	s21 =	sadd.s32 $0x200, s19  }
0x25: {  	[tilespmem:s15], [sflag:$0x1] =	stream.indirect.gather [hbm4b:s4+s14], $0x80, s20, s14, $0xb8;
	[tilespmem:$0x1DC00] =	vst v63  }
0x26: {  	p0 =	sne.s32 s19, $0xC600;
	_ =	swait.ge [sflag:s16], $0x3200  }
.Ltmp0:
0x27: {  	[sflag:s16] =	ssyncset.done $0x0;
	(pc) =	sbr.rel @p0 .LBB2_2-.Ltmp0, $4  }
0x28: {  	s19 =	sadd.s32 $0x3400, s20;
	[sflag:s16] =	ssyncadd.s32 $0xFFFFCE00  }
0x29: {  	[spmem:s2] =	stream.indirect.scatter.add.f32 [tilespmem:s15], [sflag:$0x2], $0x80, s19, s14, $0xb8;
	[tilespmem:$0x1DC00] =	vst v63  }
0x2a: {  	_ =	swait.ge [sflag:s10], $0x3200  }
0x2b: {  	s19 =	smov.u32 s21;
	[sflag:s10] =	ssyncset.done $0x0  }
0x2c: {  	s18 =	sshra.s32 s18, $0x2;
	[sflag:s10] =	ssyncadd.s32 $0xFFFFCE00  }
0x2d: {  	[tilespmem:s15], [sflag:$0x1] =	stream.indirect.gather [hbm4b:s4+s14], $0x80, s18, s14, $0xb8;
	[tilespmem:$0x1DC00] =	vst v63  }
0x2e: {  	_ =	swait.ge [sflag:s16], $0x3200  }
0x2f: {  	[sflag:s16] =	ssyncset.done $0x0  }
0x30: {  	s18 =	sadd.s32 $0x3400, s18;
	[sflag:s16] =	ssyncadd.s32 $0xFFFFCE00  }
0x31: {  	[spmem:s2] =	stream.indirect.scatter.add.f32 [tilespmem:s15], [sflag:$0x2], $0x80, s18, s14, $0xb8;
	[tilespmem:$0x1DC00] =	vst v63  }
0x32: {  	_ =	swait.ge [sflag:s10], $0x3200  }
0x33: {  	s17 =	sadd.s32 $0x1, s17;
	[sflag:s10] =	ssyncset.done $0x0  }
0x34: {  	p0 =	sne.s32 s17, s9;
	[sflag:s10] =	ssyncadd.s32 $0xFFFFCE00  }
.Ltmp1:
0x35: {  	[bflag:$0x0] =	sbarrier.arrive $0xFFFF;
	(pc) =	sbr.rel @p0 .LBB2_1-.Ltmp1, $4  }
0x36: {  	[hbm:s8], [sflag:s12] =	dma.local [spmem:s13], $0x2800  }
0x37: {  	_ =	swait.ge [sflag:s10], $0x2800  }
0x38: {  	[sflag:s10] =	ssyncset.done $0x0  }
0x39: {  	[sflag:s10] =	ssyncadd.s32 $0xFFFFD800  }
0x3a: {  	_ =	sfence.sel $0x180000  }
0x3b: {  	[bflag:$0x0] =	sbarrier.arrive $0xFFFF  }
0x3c: {  	p0 =	sne.s32 s0, $0x0;
	_ =	strace $0x90000047  }
0x3d: {  	s0 =	sadd.s32 @!p0 $0x100000, s1;
	[bflag:$0x2] =	sbarrier.arrive $0xFFFF  }
0x3e: {  	[sflag:s0] =	ssyncadd.tile.s32 @!p0 $0x1;
	_ =	shalt  }
.Lfunc_end2:
_tile_overlayer_lowered:
.L_overlay_start_2:
0x3f: {  	(tag) =	ssettag $0x2  }
0x40: {  	s0 =	rddreg [dreg:$0x0];
	s2 =	stileid.u32  }
0x41: {  	s1 =	rddreg [dreg:$0x1];
	p0 =	sne.s32 s2, $0x0  }
0x42: {  	s3 =	rddreg [dreg:$0x2];
	[bflag:$0x3] =	sbarrier.arrive $0xFFFF;
	s2 =	simm.s32 @!p0 $0x1C02  }
0x43: {  	[timem:s3], [sflag:s2] =	dma.local @!p0 [hbm:s0], s1  }
0x44: {  	s0 =	simm.s32 @!p0 $0x2  }
0x45: {  	_ =	swait.ge @!p0 [sflag:s0], s1  }
0x46: {  	s1 =	ssub.s32 @!p0 $0x0, s1;
	[sflag:s0] =	ssyncset.done @!p0 $0x0  }
0x47: {  	[sflag:s0] =	ssyncadd.s32 @!p0 s1  }
0x48: {  	[bflag:$0x3] =	sbarrier.arrive $0xFFFF  }
0x49: {  	_ =	shalt  }

// kernel: kernel.13.cloned.1.call-start
scs
__scs_entry_jumppad:
0x0: {  	(pc) =	sbr.rel $0x88, $3  }
0x1: {  	(tag) =	ssettag $0x0;
	lr =	simm.s32 $0x1  }
0x2: {  	[smem:$0x3F8D] =	sst lr;
	_ =	strace $0xD0000000  }
0x3: {  	_ = 	snop  }
0x4: {  	_ = 	snop  }
0x5: {  	_ = 	snop  }
0x6: {  	_ = 	snop  }
0x7: {  	_ = 	snop  }
__scs_overlays_trampoline_lowered:
0x8: {  	[smem:$0x3F9C] =	sst s0  }
0x9: {  	[smem:$0x3F9D] =	sst s1  }
0xa: {  	[smem:$0x3F9E] =	sst s2  }
0xb: {  	[smem:$0x3F9F] =	sst s3  }
0xc: {  	[smem:$0x3FA0] =	sst s4  }
0xd: {  	[smem:$0x3FA1] =	sst s5  }
0xe: {  	[smem:$0x3FA2] =	sst s6  }
0xf: {  	[smem:$0x3FA3] =	sst s7  }
0x10: {  	[smem:$0x3FA4] =	sst s8  }
0x11: {  	[smem:$0x3FA5] =	sst s9;
	s0 =	simm.s32 @!p0 $0x0  }
0x12: {  	s1 =	sld [smem:$0x3F8B];
	s0 =	simm.s32 @p0 $0x1  }
0x13: {  	[smem:$0x3FA6] =	sst s0;
	s0 =	simm.s32 @!p1 $0x0  }
0x14: {  	s2 =	sld [smem:$0x3F8A];
	s0 =	simm.s32 @p1 $0x1  }
0x15: {  	[smem:$0x3FA7] =	sst s0;
	s0 =	simm.s32 @!p2 $0x0  }
0x16: {  	s3 =	sld [smem:$0x3FDB];
	s0 =	simm.s32 @p2 $0x1  }
0x17: {  	s4 =	simm.s32 $0x1BF5;
	[smem:$0x3FA9] =	sst s0  }
0x18: {  	s0 =	sld [smem:$0x3F8C];
	_ =	swait.ge [sflag:s4], $0x0  }
0x19: {  	s7 =	sld [smem:$0x3F8D]  }
0x1a: {  	s8 =	sadd.s32 $0xFFFFE003, lr  }
0x1b: {  	s9 =	sadd.s32 $0xFFFFFEF7, lr;
	s5 =	simm.s32 $0xFFFFFFFF;
	p2 =	slt.u32 s8, $0xFFFFF086  }
0x1c: {  	p1 =	slt.u32 s9, $0xF7A;
	s5 =	simm.s32 @!p2 $0x0  }
0x1d: {  	s5 =	simm.s32 @p1 $0x1;
	p0 =	seq.s32 s7, s2  }
0x1e: {  	s7 =	smul.u32 @!p0 $0xF7A, s2;
	p2 =	seq.s32 @!p0 s5, $0x0  }
0x1f: {  	s9 =	smul.u32 $0xF7A, s1;
	s8 =	simm.s32 @!p0 $0x1BF5;
	p2 =	por !p2, p0  }
0x20: {  	[sflag:s8] =	ssyncset.s32 @!p0 $0xFFFFF086;
	s6 =	sadd.s32 @!p0 s3, s7;
	s7 =	simm.s32 @!p0 $0x108  }
0x21: {  	s3 =	sadd.s32 s3, s9;
	s6 =	sadd.s32 @!p0 $0x88, s6;
	s7 =	simm.s32 @p2 $0x1082  }
0x22: {  	[simem:s7], [sflag:s8] =	dma.local @!p0 [hbm:s6], $0xF7A  }
0x23: {  	s9 =	sor.u32 $0xD0000000, s2;
	s6 =	simm.s32 $0x108;
	_ =	swait.ge @!p0 [sflag:s8], $0x0  }
0x24: {  	s3 =	sadd.s32 $0x88, s3;
	s6 =	simm.s32 @!p1 $0x1082;
	[sflag:s4] =	ssyncset.s32 $0xFFFFF086  }
0x25: {  	[simem:s6], [sflag:s4] =	dma.local [hbm:s3], $0xF7A  }
0x26: {  	[smem:$0x3F8D] =	sst s1;
	(tag) =	ssettag s2;
	_ =	strace s9  }
0x27: {  	s1 =	sld [smem:$0x3F9D]  }
0x28: {  	s2 =	sld [smem:$0x3F9E]  }
0x29: {  	s4 =	sld [smem:$0x3FA0]  }
0x2a: {  	p0 =	seq.s32 s5, $0x0;
	s5 =	sld [smem:$0x3FA1]  }
0x2b: {  	s6 =	sld [smem:$0x3FA2]  }
0x2c: {  	s7 =	sld [smem:$0x3FA3]  }
0x2d: {  	s3 =	simm.s32 $0x108;
	s8 =	sld [smem:$0x3FA4]  }
0x2e: {  	s3 =	simm.s32 @!p0 $0x1082;
	s9 =	sld [smem:$0x3FA5]  }
0x2f: {  	lr =	sadd.s32 s0, s3;
	s0 =	sld [smem:$0x3F9C]  }
0x30: {  	s3 =	sld [smem:$0x3F9F]  }
0x31: {  	[smem:$0x3FA8] =	sst s10  }
0x32: {  	s10 =	sld [smem:$0x3FA6];
	_ =	sdelay $0x3  }
0x33: {  	p0 =	seq.s32 s10, $0x1;
	s10 =	sld [smem:$0x3FA8];
	_ =	sdelay $0x3  }
0x34: {  	[smem:$0x3FA8] =	sst s10  }
0x35: {  	s10 =	sld [smem:$0x3FA7];
	_ =	sdelay $0x3  }
0x36: {  	p1 =	seq.s32 s10, $0x1;
	s10 =	sld [smem:$0x3FA8];
	_ =	sdelay $0x3  }
0x37: {  	[smem:$0x3FA8] =	sst s10  }
0x38: {  	s10 =	sld [smem:$0x3FA9]  }
0x39: {  	_ = 	snop;
	(pc) =	sbr.ind lr, $3  }
0x3a: {  	_ = 	snop  }
0x3b: {  	_ = 	snop  }
0x3c: {  	p2 =	seq.s32 s10, $0x1;
	s10 =	sld [smem:$0x3FA8]  }
0x3d: {  	_ =	shalt  }
0x3e: {  	_ =	shalt  }
0x3f: {  	_ =	shalt  }
0x40: {  	_ =	shalt  }
0x41: {  	_ =	shalt  }
0x42: {  	_ =	shalt  }
0x43: {  	_ =	shalt  }
0x44: {  	_ =	shalt  }
0x45: {  	_ =	shalt  }
0x46: {  	_ =	shalt  }
0x47: {  	_ =	shalt  }
0x48: {  	_ =	shalt  }
0x49: {  	_ =	shalt  }
0x4a: {  	_ =	shalt  }
0x4b: {  	_ =	shalt  }
0x4c: {  	_ =	shalt  }
0x4d: {  	_ =	shalt  }
0x4e: {  	_ =	shalt  }
0x4f: {  	_ =	shalt  }
0x50: {  	_ =	shalt  }
0x51: {  	_ =	shalt  }
0x52: {  	_ =	shalt  }
0x53: {  	_ =	shalt  }
0x54: {  	_ =	shalt  }
0x55: {  	_ =	shalt  }
0x56: {  	_ =	shalt  }
0x57: {  	_ =	shalt  }
0x58: {  	_ =	shalt  }
0x59: {  	_ =	shalt  }
0x5a: {  	_ =	shalt  }
0x5b: {  	_ =	shalt  }
0x5c: {  	_ =	shalt  }
0x5d: {  	_ =	shalt  }
0x5e: {  	_ =	shalt  }
0x5f: {  	_ =	shalt  }
0x60: {  	_ =	shalt  }
0x61: {  	_ =	shalt  }
0x62: {  	_ =	shalt  }
0x63: {  	_ =	shalt  }
0x64: {  	_ =	shalt  }
0x65: {  	_ =	shalt  }
0x66: {  	_ =	shalt  }
0x67: {  	_ =	shalt  }
0x68: {  	_ =	shalt  }
0x69: {  	_ =	shalt  }
0x6a: {  	_ =	shalt  }
0x6b: {  	_ =	shalt  }
0x6c: {  	_ =	shalt  }
0x6d: {  	_ =	shalt  }
0x6e: {  	_ =	shalt  }
0x6f: {  	_ =	shalt  }
0x70: {  	_ =	shalt  }
0x71: {  	_ =	shalt  }
0x72: {  	_ =	shalt  }
0x73: {  	_ =	shalt  }
0x74: {  	_ =	shalt  }
0x75: {  	_ =	shalt  }
0x76: {  	_ =	shalt  }
0x77: {  	_ =	shalt  }
0x78: {  	_ =	shalt  }
0x79: {  	_ =	shalt  }
0x7a: {  	_ =	shalt  }
0x7b: {  	_ =	shalt  }
0x7c: {  	_ =	shalt  }
0x7d: {  	_ =	shalt  }
0x7e: {  	_ =	shalt  }
0x7f: {  	_ =	shalt  }
0x80: {  	_ =	shalt  }
0x81: {  	_ =	shalt  }
0x82: {  	_ =	shalt  }
0x83: {  	_ =	shalt  }
0x84: {  	_ =	shalt  }
0x85: {  	_ =	shalt  }
0x86: {  	_ =	shalt  }
0x87: {  	_ =	shalt  }
.Lfunc_end0:
.L_simem_size_0:
called_computation.1_lowered:
.L_overlay_start_0:
0x88: {  	s2 =	sld [smem:$0x3FD9]  }
0x89: {  	s3 =	sld [smem:$0x3FFE];
	_ =	sdelay $0x1  }
0x8a: {  	s1 =	srdreg.scid  }
0x8b: {  	s0 =	sand.u32 $0x1, s1  }
0x8c: {  	s16 =	sshll.u32 s0, $0xA;
	s2 =	sadd.s32 s3, s2  }
0x8d: {  	s2 =	sadd.s32 s2, s16  }
0x8e: {  	[smem:$0x3FB4] =	sst s2  }
0x8f: {  	_ = 	snop  }
0x90: {  	(tm) =	ssettm $0x1  }
0x91: {  	s17 =	sld [smem:$0x3FFB];
	_ =	sdelay $0x3  }
0x92: {  	_ =	strace s17  }
0x93: {  	s2 =	sld [smem:$0x3FFC];
	_ =	sdelay $0x3  }
0x94: {  	_ =	strace s2  }
0x95: {  	s2 =	sld [smem:$0x3FFD];
	_ =	sdelay $0x3  }
0x96: {  	_ =	strace s2  }
0x97: {  	_ =	strace $0x8FFFFFFF  }
0x98: {  	s18 =	sld [smem:$0x3FDB];
	_ =	sdelay $0x1  }
0x99: {  	s19 =	simm.s32 $_scs_section_size  }
0x9a: {  	s4 =	simm.s32 $_size__tile_overlayer_lowered;
	s5 =	simm.s32 $_tile_overlayer_lowered  }
0x9b: {  	s22 =	simm.s32 $0x1BFF;
	s21 =	sshll.u32 s5, $0x1;
	s2 =	sadd.s32 s19, s18  }
0x9c: {  	s6 =	simm.s32 $0x0;
	s20 =	sshll.u32 s4, $0x1;
	s4 =	sadd.s32 s21, s2  }
0x9d: {  	[timem:s6], [sflag:s22] =	dma.local [hbm:s4], s20  }
0x9e: {  	_ =	swait.ge [sflag:s22], s20  }
0x9f: {  	s3 =	ssub.s32 $0x0, s20;
	[sflag:s22] =	ssyncset.done $0x0  }
0xa0: {  	[sflag:s22] =	ssyncadd.s32 s3;
	_ =	sdelay $0x1  }
0xa1: {  	s23 =	simm.s32 $0x1B8B  }
0xa2: {  	_ =	swait.ge [sflag:s23], $0x1  }
0xa3: {  	[sflag:s23] =	ssyncset.done $0x0  }
0xa4: {  	s25 =	simm.s32 $0x1B8E;
	s24 =	sld [smem:$0x3FFE];
	[sflag:s23] =	ssyncadd.s32 $0xFFFFFFFF  }
0xa5: {  	s26 =	simm.s32 $execute0_lowered;
	[smem:$0x3FD2] =	sst s25  }
0xa6: {  	s4 =	sshll.u32 s26, $0x1;
	_ =	strace $0x80000049;
	[dreg:$0x1] =	wrdreg $0xFFFFFFFF  }
0xa7: {  	s28 =	simm.s32 $_size_execute0_lowered;
	s2 =	sadd.s32 s2, s4;
	[dreg:$0x0] =	wrdreg $0x0  }
0xa8: {  	s4 =	sshll.u32 s28, $0x1;
	[dreg:$0x2] =	wrdreg s2  }
0xa9: {  	[dreg:$0x3] =	wrdreg s4  }
0xaa: {  	[dreg:$0x4] =	wrdreg $0xC0  }
0xab: {  	_ =	task [dreg:s6], $0x5FFFF  }
0xac: {  	[dreg:$0x1] =	wrdreg $0xFFFFFFFF  }
0xad: {  	[dreg:$0x0] =	wrdreg $0x60  }
0xae: {  	[dreg:$0x2] =	wrdreg s24  }
0xaf: {  	[dreg:$0x3] =	wrdreg $0x9C000  }
0xb0: {  	[dreg:$0x4] =	wrdreg $0x9  }
0xb1: {  	_ =	task.clear_ibuf [dreg:s6], $0x5FFFF;
	_ =	strace $0x90000049  }
0xb2: {  	s29 =	simm.s32 $0x9;
	_ =	strace $0x8000004B  }
0xb3: {  	_ =	swait.ge [sflag:s29], $0x1  }
0xb4: {  	[sflag:s29] =	ssyncadd.s32 $0xFFFFFFFF  }
0xb5: {  	_ =	strace $0x9000004B  }
0xb6: {  	_ =	sfence  }
0xb7: {  	s30 =	sld [smem:$0x0];
	_ =	sdelay $0x2  }
0xb8: {  	s31 =	sshll.u32 s1, $0xD;
	s1 =	sshrl.u32 s1, $0x2  }
0xb9: {  	s3 =	sand.u32 $0x4000, s31;
	s1 =	sadd.s32 s1, s30  }
0xba: {  	s0 =	sor.u32 s3, s0;
	s1 =	sshll.u32 s1, $0x11  }
0xbb: {  	s0 =	sor.u32 s1, s0  }
0xbc: {  	s0 =	sadd.s32 $0x8F2B, s0  }
0xbd: {  	[sflag:s0] =	ssyncadd.remote.s32 $0x1  }
0xbe: {  	_ =	sfence.sel $0xFFFF  }
0xbf: {  	[dreg:$0x0] =	wrdreg $0xFFFFFFFF;
	(pc) =	sbr.abs _section_cstart, $3  }
0xc0: {  	[dreg:$0x1] =	wrdreg $0xFFFFFFFF  }
0xc1: {  	_ =	task.clear_ibuf [dreg:s6], $0x2FFFF;
	_ =	strace $0x9FFFFFFF  }
0xc2: {  	(tm) =	ssettm $0x7FFFFFFF  }
0xc3: {  	_ =	shalt  }
tec
execute0_lowered:
.L_overlay_start_1:
0x0: {  	(tag) =	ssettag $0x1  }
0x1: {  	s6 =	rddreg [dreg:$0x0]  }
0x2: {  	s0 =	srdreg.scid;
	s2 =	rddreg [dreg:$0x1]  }
0x3: {  	s3 =	simm.s32 $0x0;
	s14 =	simm.s32 $0x64;
	s15 =	simm.s32 $0x6800  }
0x4: {  	s16 =	simm.s32 $0x1;
	s5 =	sand.u32 $0x1, s0;
	s0 =	stileid.u32  }
0x5: {  	s17 =	simm.s32 $0x0;
	[smem:$0x7FF] =	sst s3;
	s8 =	smul.u32 $0x140000, s5  }
0x6: {  	s4 =	sadd.s32 $0x1DC00, s6;
	s1 =	sshll.u32 s5, $0x4;
	s9 =	smul.u32 $0x14000, s0  }
0x7: {  	s30 =	ssub.s32 $0x2, s5;
	s11 =	smul.u32 $0x50000, s0;
	s5 =	sadd.s32 $0x44E00, s6  }
0x8: {  	s12 =	sshll.u32 s0, $0x6;
	s1 =	sor.u32 s0, s1;
	s10 =	sshrl.u32 s30, $0x1  }
0x9: {  	s12 =	sor.u32 $0x1C02, s12;
	s7 =	smul.u32 $0x680, s1;
	s1 =	rddreg [dreg:$0x2]  }
0xa: {  	_ =	strace $0x8000004A;
	s8 =	sadd.s32 s9, s8;
	s9 =	ssub.s32 s30, s10  }
0xb: {  	s31 =	sshrl.u32 s11, $0x2;
	s10 =	simm.s32 $0x2;
	s11 =	simm.s32 $0x3400  }
0xc: {  	s8 =	sshrl.u32 s8, $0x3;
	s13 =	sadd.s32 s31, s2;
	s9 =	smax.u32 s9, $0x1  }
0xd: {  	s7 =	sadd.s32 s7, s6;
	s8 =	sadd.s32 s8, s6;
	s13 =	sshrl.u32 s13, $0x3  }
0xe: {  	s6 =	sadd.s32 $0x3C00, s7;
	s7 =	sadd.s32 $0x10C00, s7;
	s8 =	sadd.s32 $0x47600, s8  }
.LBB2_1:
0xf: {  	[tilespmem:s3], [sflag:$0x2] =	stream.linear.gather [hbm4b:s6+s3], $0x3200, $0x38;
	[tilespmem:$0x1DC00] =	vst v63  }
0x10: {  	_ =	swait.ge [sflag:s10], $0x3200  }
0x11: {  	[sflag:s10] =	ssyncset.done $0x0  }
0x12: {  	[sflag:s10] =	ssyncadd.s32 $0xFFFFCE00  }
0x13: {  	[tilespmem:s11], [sflag:$0x2] =	stream.linear.gather [hbm4b:s7+s3], $0x3200, $0x38;
	[tilespmem:$0x1DC00] =	vst v63  }
0x14: {  	_ =	swait.ge [sflag:s10], $0x3200  }
0x15: {  	[sflag:s10] =	ssyncset.done $0x0  }
0x16: {  	[sflag:s10] =	ssyncadd.s32 $0xFFFFCE00  }
0x17: {  	[spmem:s13], [sflag:s12] =	dma.local [hbm:s5], $0x2800  }
0x18: {  	_ =	swait.ge [sflag:s10], $0x2800  }
0x19: {  	[sflag:s10] =	ssyncset.done $0x0  }
0x1a: {  	[sflag:s10] =	ssyncadd.s32 $0xFFFFD800  }
0x1b: {  	s18 =	simm.s32 $0x0;
	[bflag:$0x0] =	sbarrier.arrive $0xFFFF  }
0x1c: {  	[tilespmem:s15], [sflag:$0x1] =	stream.indirect.gather [hbm4b:s4+s14], $0x80, s18, s14, $0xb8;
	[tilespmem:$0x1DC00] =	vst v63  }
0x1d: {  	_ =	swait.ge [sflag:s16], $0x3200  }
0x1e: {  	[sflag:s16] =	ssyncset.done $0x0  }
0x1f: {  	s31 =	simm.s32 $0x3400;
	[sflag:s16] =	ssyncadd.s32 $0xFFFFCE00  }
0x20: {  	[spmem:s2] =	stream.indirect.scatter.add.f32 [tilespmem:s15], [sflag:$0x2], $0x80, s31, s14, $0xb8;
	[tilespmem:$0x1DC00] =	vst v63  }
0x21: {  	_ =	swait.ge [sflag:s10], $0x3200  }
0x22: {  	s19 =	simm.s32 $0x400;
	s18 =	simm.s32 $0x200;
	[sflag:s10] =	ssyncset.done $0x0  }
.LBB2_2:
0x23: {  	s20 =	sshra.s32 s18, $0x2  }
0x24: {  	[sflag:s10] =	ssyncadd.s32 $0xFFFFCE00;
	s18 =	smov.u32 s19;
	s21 =	sadd.s32 $0x200, s19  }
0x25: {  	[tilespmem:s15], [sflag:$0x1] =	stream.indirect.gather [hbm4b:s4+s14], $0x80, s20, s14, $0xb8;
	[tilespmem:$0x1DC00] =	vst v63  }
0x26: {  	p0 =	sne.s32 s19, $0xC600;
	_ =	swait.ge [sflag:s16], $0x3200  }
.Ltmp0:
0x27: {  	[sflag:s16] =	ssyncset.done $0x0;
	(pc) =	sbr.rel @p0 .LBB2_2-.Ltmp0, $4  }
0x28: {  	s19 =	sadd.s32 $0x3400, s20;
	[sflag:s16] =	ssyncadd.s32 $0xFFFFCE00  }
0x29: {  	[spmem:s2] =	stream.indirect.scatter.add.f32 [tilespmem:s15], [sflag:$0x2], $0x80, s19, s14, $0xb8;
	[tilespmem:$0x1DC00] =	vst v63  }
0x2a: {  	_ =	swait.ge [sflag:s10], $0x3200  }
0x2b: {  	s19 =	smov.u32 s21;
	[sflag:s10] =	ssyncset.done $0x0  }
0x2c: {  	s18 =	sshra.s32 s18, $0x2;
	[sflag:s10] =	ssyncadd.s32 $0xFFFFCE00  }
0x2d: {  	[tilespmem:s15], [sflag:$0x1] =	stream.indirect.gather [hbm4b:s4+s14], $0x80, s18, s14, $0xb8;
	[tilespmem:$0x1DC00] =	vst v63  }
0x2e: {  	_ =	swait.ge [sflag:s16], $0x3200  }
0x2f: {  	[sflag:s16] =	ssyncset.done $0x0  }
0x30: {  	s18 =	sadd.s32 $0x3400, s18;
	[sflag:s16] =	ssyncadd.s32 $0xFFFFCE00  }
0x31: {  	[spmem:s2] =	stream.indirect.scatter.add.f32 [tilespmem:s15], [sflag:$0x2], $0x80, s18, s14, $0xb8;
	[tilespmem:$0x1DC00] =	vst v63  }
0x32: {  	_ =	swait.ge [sflag:s10], $0x3200  }
0x33: {  	s17 =	sadd.s32 $0x1, s17;
	[sflag:s10] =	ssyncset.done $0x0  }
0x34: {  	p0 =	sne.s32 s17, s9;
	[sflag:s10] =	ssyncadd.s32 $0xFFFFCE00  }
.Ltmp1:
0x35: {  	[bflag:$0x0] =	sbarrier.arrive $0xFFFF;
	(pc) =	sbr.rel @p0 .LBB2_1-.Ltmp1, $4  }
0x36: {  	[hbm:s8], [sflag:s12] =	dma.local [spmem:s13], $0x2800  }
0x37: {  	_ =	swait.ge [sflag:s10], $0x2800  }
0x38: {  	[sflag:s10] =	ssyncset.done $0x0  }
0x39: {  	[sflag:s10] =	ssyncadd.s32 $0xFFFFD800  }
0x3a: {  	_ =	sfence.sel $0x180000  }
0x3b: {  	[bflag:$0x0] =	sbarrier.arrive $0xFFFF  }
0x3c: {  	p0 =	sne.s32 s0, $0x0;
	_ =	strace $0x9000004A  }
0x3d: {  	s0 =	sadd.s32 @!p0 $0x100000, s1;
	[bflag:$0x2] =	sbarrier.arrive $0xFFFF  }
0x3e: {  	[sflag:s0] =	ssyncadd.tile.s32 @!p0 $0x1;
	_ =	shalt  }
.Lfunc_end2:
_tile_overlayer_lowered:
.L_overlay_start_2:
0x3f: {  	(tag) =	ssettag $0x2  }
0x40: {  	s0 =	rddreg [dreg:$0x0];
	s2 =	stileid.u32  }
0x41: {  	s1 =	rddreg [dreg:$0x1];
	p0 =	sne.s32 s2, $0x0  }
0x42: {  	s3 =	rddreg [dreg:$0x2];
	[bflag:$0x3] =	sbarrier.arrive $0xFFFF;
	s2 =	simm.s32 @!p0 $0x1C02  }
0x43: {  	[timem:s3], [sflag:s2] =	dma.local @!p0 [hbm:s0], s1  }
0x44: {  	s0 =	simm.s32 @!p0 $0x2  }
0x45: {  	_ =	swait.ge @!p0 [sflag:s0], s1  }
0x46: {  	s1 =	ssub.s32 @!p0 $0x0, s1;
	[sflag:s0] =	ssyncset.done @!p0 $0x0  }
0x47: {  	[sflag:s0] =	ssyncadd.s32 @!p0 s1  }
0x48: {  	[bflag:$0x3] =	sbarrier.arrive $0xFFFF  }
0x49: {  	_ =	shalt  }

// kernel: kernel.16.cloned.1.call-start
scs
__scs_entry_jumppad:
0x0: {  	(pc) =	sbr.rel $0x88, $3  }
0x1: {  	(tag) =	ssettag $0x0;
	lr =	simm.s32 $0x1  }
0x2: {  	[smem:$0x3F8D] =	sst lr;
	_ =	strace $0xD0000000  }
0x3: {  	_ = 	snop  }
0x4: {  	_ = 	snop  }
0x5: {  	_ = 	snop  }
0x6: {  	_ = 	snop  }
0x7: {  	_ = 	snop  }
__scs_overlays_trampoline_lowered:
0x8: {  	[smem:$0x3F9C] =	sst s0  }
0x9: {  	[smem:$0x3F9D] =	sst s1  }
0xa: {  	[smem:$0x3F9E] =	sst s2  }
0xb: {  	[smem:$0x3F9F] =	sst s3  }
0xc: {  	[smem:$0x3FA0] =	sst s4  }
0xd: {  	[smem:$0x3FA1] =	sst s5  }
0xe: {  	[smem:$0x3FA2] =	sst s6  }
0xf: {  	[smem:$0x3FA3] =	sst s7  }
0x10: {  	[smem:$0x3FA4] =	sst s8  }
0x11: {  	[smem:$0x3FA5] =	sst s9;
	s0 =	simm.s32 @!p0 $0x0  }
0x12: {  	s1 =	sld [smem:$0x3F8B];
	s0 =	simm.s32 @p0 $0x1  }
0x13: {  	[smem:$0x3FA6] =	sst s0;
	s0 =	simm.s32 @!p1 $0x0  }
0x14: {  	s2 =	sld [smem:$0x3F8A];
	s0 =	simm.s32 @p1 $0x1  }
0x15: {  	[smem:$0x3FA7] =	sst s0;
	s0 =	simm.s32 @!p2 $0x0  }
0x16: {  	s3 =	sld [smem:$0x3FDB];
	s0 =	simm.s32 @p2 $0x1  }
0x17: {  	s4 =	simm.s32 $0x1BF5;
	[smem:$0x3FA9] =	sst s0  }
0x18: {  	s0 =	sld [smem:$0x3F8C];
	_ =	swait.ge [sflag:s4], $0x0  }
0x19: {  	s7 =	sld [smem:$0x3F8D]  }
0x1a: {  	s8 =	sadd.s32 $0xFFFFE003, lr  }
0x1b: {  	s9 =	sadd.s32 $0xFFFFFEF7, lr;
	s5 =	simm.s32 $0xFFFFFFFF;
	p2 =	slt.u32 s8, $0xFFFFF086  }
0x1c: {  	p1 =	slt.u32 s9, $0xF7A;
	s5 =	simm.s32 @!p2 $0x0  }
0x1d: {  	s5 =	simm.s32 @p1 $0x1;
	p0 =	seq.s32 s7, s2  }
0x1e: {  	s7 =	smul.u32 @!p0 $0xF7A, s2;
	p2 =	seq.s32 @!p0 s5, $0x0  }
0x1f: {  	s9 =	smul.u32 $0xF7A, s1;
	s8 =	simm.s32 @!p0 $0x1BF5;
	p2 =	por !p2, p0  }
0x20: {  	[sflag:s8] =	ssyncset.s32 @!p0 $0xFFFFF086;
	s6 =	sadd.s32 @!p0 s3, s7;
	s7 =	simm.s32 @!p0 $0x108  }
0x21: {  	s3 =	sadd.s32 s3, s9;
	s6 =	sadd.s32 @!p0 $0x88, s6;
	s7 =	simm.s32 @p2 $0x1082  }
0x22: {  	[simem:s7], [sflag:s8] =	dma.local @!p0 [hbm:s6], $0xF7A  }
0x23: {  	s9 =	sor.u32 $0xD0000000, s2;
	s6 =	simm.s32 $0x108;
	_ =	swait.ge @!p0 [sflag:s8], $0x0  }
0x24: {  	s3 =	sadd.s32 $0x88, s3;
	s6 =	simm.s32 @!p1 $0x1082;
	[sflag:s4] =	ssyncset.s32 $0xFFFFF086  }
0x25: {  	[simem:s6], [sflag:s4] =	dma.local [hbm:s3], $0xF7A  }
0x26: {  	[smem:$0x3F8D] =	sst s1;
	(tag) =	ssettag s2;
	_ =	strace s9  }
0x27: {  	s1 =	sld [smem:$0x3F9D]  }
0x28: {  	s2 =	sld [smem:$0x3F9E]  }
0x29: {  	s4 =	sld [smem:$0x3FA0]  }
0x2a: {  	p0 =	seq.s32 s5, $0x0;
	s5 =	sld [smem:$0x3FA1]  }
0x2b: {  	s6 =	sld [smem:$0x3FA2]  }
0x2c: {  	s7 =	sld [smem:$0x3FA3]  }
0x2d: {  	s3 =	simm.s32 $0x108;
	s8 =	sld [smem:$0x3FA4]  }
0x2e: {  	s3 =	simm.s32 @!p0 $0x1082;
	s9 =	sld [smem:$0x3FA5]  }
0x2f: {  	lr =	sadd.s32 s0, s3;
	s0 =	sld [smem:$0x3F9C]  }
0x30: {  	s3 =	sld [smem:$0x3F9F]  }
0x31: {  	[smem:$0x3FA8] =	sst s10  }
0x32: {  	s10 =	sld [smem:$0x3FA6];
	_ =	sdelay $0x3  }
0x33: {  	p0 =	seq.s32 s10, $0x1;
	s10 =	sld [smem:$0x3FA8];
	_ =	sdelay $0x3  }
0x34: {  	[smem:$0x3FA8] =	sst s10  }
0x35: {  	s10 =	sld [smem:$0x3FA7];
	_ =	sdelay $0x3  }
0x36: {  	p1 =	seq.s32 s10, $0x1;
	s10 =	sld [smem:$0x3FA8];
	_ =	sdelay $0x3  }
0x37: {  	[smem:$0x3FA8] =	sst s10  }
0x38: {  	s10 =	sld [smem:$0x3FA9]  }
0x39: {  	_ = 	snop;
	(pc) =	sbr.ind lr, $3  }
0x3a: {  	_ = 	snop  }
0x3b: {  	_ = 	snop  }
0x3c: {  	p2 =	seq.s32 s10, $0x1;
	s10 =	sld [smem:$0x3FA8]  }
0x3d: {  	_ =	shalt  }
0x3e: {  	_ =	shalt  }
0x3f: {  	_ =	shalt  }
0x40: {  	_ =	shalt  }
0x41: {  	_ =	shalt  }
0x42: {  	_ =	shalt  }
0x43: {  	_ =	shalt  }
0x44: {  	_ =	shalt  }
0x45: {  	_ =	shalt  }
0x46: {  	_ =	shalt  }
0x47: {  	_ =	shalt  }
0x48: {  	_ =	shalt  }
0x49: {  	_ =	shalt  }
0x4a: {  	_ =	shalt  }
0x4b: {  	_ =	shalt  }
0x4c: {  	_ =	shalt  }
0x4d: {  	_ =	shalt  }
0x4e: {  	_ =	shalt  }
0x4f: {  	_ =	shalt  }
0x50: {  	_ =	shalt  }
0x51: {  	_ =	shalt  }
0x52: {  	_ =	shalt  }
0x53: {  	_ =	shalt  }
0x54: {  	_ =	shalt  }
0x55: {  	_ =	shalt  }
0x56: {  	_ =	shalt  }
0x57: {  	_ =	shalt  }
0x58: {  	_ =	shalt  }
0x59: {  	_ =	shalt  }
0x5a: {  	_ =	shalt  }
0x5b: {  	_ =	shalt  }
0x5c: {  	_ =	shalt  }
0x5d: {  	_ =	shalt  }
0x5e: {  	_ =	shalt  }
0x5f: {  	_ =	shalt  }
0x60: {  	_ =	shalt  }
0x61: {  	_ =	shalt  }
0x62: {  	_ =	shalt  }
0x63: {  	_ =	shalt  }
0x64: {  	_ =	shalt  }
0x65: {  	_ =	shalt  }
0x66: {  	_ =	shalt  }
0x67: {  	_ =	shalt  }
0x68: {  	_ =	shalt  }
0x69: {  	_ =	shalt  }
0x6a: {  	_ =	shalt  }
0x6b: {  	_ =	shalt  }
0x6c: {  	_ =	shalt  }
0x6d: {  	_ =	shalt  }
0x6e: {  	_ =	shalt  }
0x6f: {  	_ =	shalt  }
0x70: {  	_ =	shalt  }
0x71: {  	_ =	shalt  }
0x72: {  	_ =	shalt  }
0x73: {  	_ =	shalt  }
0x74: {  	_ =	shalt  }
0x75: {  	_ =	shalt  }
0x76: {  	_ =	shalt  }
0x77: {  	_ =	shalt  }
0x78: {  	_ =	shalt  }
0x79: {  	_ =	shalt  }
0x7a: {  	_ =	shalt  }
0x7b: {  	_ =	shalt  }
0x7c: {  	_ =	shalt  }
0x7d: {  	_ =	shalt  }
0x7e: {  	_ =	shalt  }
0x7f: {  	_ =	shalt  }
0x80: {  	_ =	shalt  }
0x81: {  	_ =	shalt  }
0x82: {  	_ =	shalt  }
0x83: {  	_ =	shalt  }
0x84: {  	_ =	shalt  }
0x85: {  	_ =	shalt  }
0x86: {  	_ =	shalt  }
0x87: {  	_ =	shalt  }
.Lfunc_end0:
.L_simem_size_0:
called_computation.2_lowered:
.L_overlay_start_0:
0x88: {  	s2 =	sld [smem:$0x3FD9]  }
0x89: {  	s3 =	sld [smem:$0x3FFE];
	_ =	sdelay $0x1  }
0x8a: {  	s1 =	srdreg.scid  }
0x8b: {  	s0 =	sand.u32 $0x1, s1  }
0x8c: {  	s16 =	sshll.u32 s0, $0xA;
	s2 =	sadd.s32 s3, s2  }
0x8d: {  	s2 =	sadd.s32 s2, s16  }
0x8e: {  	[smem:$0x3FB4] =	sst s2  }
0x8f: {  	_ = 	snop  }
0x90: {  	(tm) =	ssettm $0x1  }
0x91: {  	s17 =	sld [smem:$0x3FFB];
	_ =	sdelay $0x3  }
0x92: {  	_ =	strace s17  }
0x93: {  	s2 =	sld [smem:$0x3FFC];
	_ =	sdelay $0x3  }
0x94: {  	_ =	strace s2  }
0x95: {  	s2 =	sld [smem:$0x3FFD];
	_ =	sdelay $0x3  }
0x96: {  	_ =	strace s2  }
0x97: {  	_ =	strace $0x8FFFFFFF  }
0x98: {  	s18 =	sld [smem:$0x3FDB];
	_ =	sdelay $0x1  }
0x99: {  	s19 =	simm.s32 $_scs_section_size  }
0x9a: {  	s4 =	simm.s32 $_size__tile_overlayer_lowered;
	s5 =	simm.s32 $_tile_overlayer_lowered  }
0x9b: {  	s22 =	simm.s32 $0x1BFF;
	s21 =	sshll.u32 s5, $0x1;
	s2 =	sadd.s32 s19, s18  }
0x9c: {  	s6 =	simm.s32 $0x0;
	s20 =	sshll.u32 s4, $0x1;
	s4 =	sadd.s32 s21, s2  }
0x9d: {  	[timem:s6], [sflag:s22] =	dma.local [hbm:s4], s20  }
0x9e: {  	_ =	swait.ge [sflag:s22], s20  }
0x9f: {  	s3 =	ssub.s32 $0x0, s20;
	[sflag:s22] =	ssyncset.done $0x0  }
0xa0: {  	[sflag:s22] =	ssyncadd.s32 s3;
	_ =	sdelay $0x1  }
0xa1: {  	s23 =	simm.s32 $0x1B8B  }
0xa2: {  	_ =	swait.ge [sflag:s23], $0x1  }
0xa3: {  	[sflag:s23] =	ssyncset.done $0x0  }
0xa4: {  	s25 =	simm.s32 $0x1B8E;
	s24 =	sld [smem:$0x3FFE];
	[sflag:s23] =	ssyncadd.s32 $0xFFFFFFFF  }
0xa5: {  	s26 =	simm.s32 $execute0_lowered;
	[smem:$0x3FD2] =	sst s25  }
0xa6: {  	s4 =	sshll.u32 s26, $0x1;
	_ =	strace $0x8000004C;
	[dreg:$0x1] =	wrdreg $0xFFFFFFFF  }
0xa7: {  	s28 =	simm.s32 $_size_execute0_lowered;
	s2 =	sadd.s32 s2, s4;
	[dreg:$0x0] =	wrdreg $0x0  }
0xa8: {  	s4 =	sshll.u32 s28, $0x1;
	[dreg:$0x2] =	wrdreg s2  }
0xa9: {  	[dreg:$0x3] =	wrdreg s4  }
0xaa: {  	[dreg:$0x4] =	wrdreg $0xC0  }
0xab: {  	_ =	task [dreg:s6], $0x5FFFF  }
0xac: {  	[dreg:$0x1] =	wrdreg $0xFFFFFFFF  }
0xad: {  	[dreg:$0x0] =	wrdreg $0x60  }
0xae: {  	[dreg:$0x2] =	wrdreg s24  }
0xaf: {  	[dreg:$0x3] =	wrdreg $0x9C000  }
0xb0: {  	[dreg:$0x4] =	wrdreg $0x9  }
0xb1: {  	_ =	task.clear_ibuf [dreg:s6], $0x5FFFF;
	_ =	strace $0x9000004C  }
0xb2: {  	s29 =	simm.s32 $0x9;
	_ =	strace $0x8000004E  }
0xb3: {  	_ =	swait.ge [sflag:s29], $0x1  }
0xb4: {  	[sflag:s29] =	ssyncadd.s32 $0xFFFFFFFF  }
0xb5: {  	_ =	strace $0x9000004E  }
0xb6: {  	_ =	sfence  }
0xb7: {  	s30 =	sld [smem:$0x0];
	_ =	sdelay $0x2  }
0xb8: {  	s31 =	sshll.u32 s1, $0xD;
	s1 =	sshrl.u32 s1, $0x2  }
0xb9: {  	s3 =	sand.u32 $0x4000, s31;
	s1 =	sadd.s32 s1, s30  }
0xba: {  	s0 =	sor.u32 s3, s0;
	s1 =	sshll.u32 s1, $0x11  }
0xbb: {  	s0 =	sor.u32 s1, s0  }
0xbc: {  	s0 =	sadd.s32 $0x8F2B, s0  }
0xbd: {  	[sflag:s0] =	ssyncadd.remote.s32 $0x1  }
0xbe: {  	_ =	sfence.sel $0xFFFF  }
0xbf: {  	[dreg:$0x0] =	wrdreg $0xFFFFFFFF;
	(pc) =	sbr.abs _section_cstart, $3  }
0xc0: {  	[dreg:$0x1] =	wrdreg $0xFFFFFFFF  }
0xc1: {  	_ =	task.clear_ibuf [dreg:s6], $0x2FFFF;
	_ =	strace $0x9FFFFFFF  }
0xc2: {  	(tm) =	ssettm $0x7FFFFFFF  }
0xc3: {  	_ =	shalt  }
tec
execute0_lowered:
.L_overlay_start_1:
0x0: {  	(tag) =	ssettag $0x1  }
0x1: {  	s6 =	rddreg [dreg:$0x0]  }
0x2: {  	s0 =	srdreg.scid;
	s2 =	rddreg [dreg:$0x1]  }
0x3: {  	s3 =	simm.s32 $0x0;
	s14 =	simm.s32 $0x64;
	s15 =	simm.s32 $0x6800  }
0x4: {  	s16 =	simm.s32 $0x1;
	s5 =	sand.u32 $0x1, s0;
	s0 =	stileid.u32  }
0x5: {  	s17 =	simm.s32 $0x0;
	[smem:$0x7FF] =	sst s3;
	s8 =	smul.u32 $0x140000, s5  }
0x6: {  	s4 =	sadd.s32 $0x1DC00, s6;
	s1 =	sshll.u32 s5, $0x4;
	s9 =	smul.u32 $0x14000, s0  }
0x7: {  	s30 =	ssub.s32 $0x2, s5;
	s11 =	smul.u32 $0x50000, s0;
	s5 =	sadd.s32 $0x44E00, s6  }
0x8: {  	s12 =	sshll.u32 s0, $0x6;
	s1 =	sor.u32 s0, s1;
	s10 =	sshrl.u32 s30, $0x1  }
0x9: {  	s12 =	sor.u32 $0x1C02, s12;
	s7 =	smul.u32 $0x680, s1;
	s1 =	rddreg [dreg:$0x2]  }
0xa: {  	_ =	strace $0x8000004D;
	s8 =	sadd.s32 s9, s8;
	s9 =	ssub.s32 s30, s10  }
0xb: {  	s31 =	sshrl.u32 s11, $0x2;
	s10 =	simm.s32 $0x2;
	s11 =	simm.s32 $0x3400  }
0xc: {  	s8 =	sshrl.u32 s8, $0x3;
	s13 =	sadd.s32 s31, s2;
	s9 =	smax.u32 s9, $0x1  }
0xd: {  	s7 =	sadd.s32 s7, s6;
	s8 =	sadd.s32 s8, s6;
	s13 =	sshrl.u32 s13, $0x3  }
0xe: {  	s6 =	sadd.s32 $0x3C00, s7;
	s7 =	sadd.s32 $0x10C00, s7;
	s8 =	sadd.s32 $0x47600, s8  }
.LBB2_1:
0xf: {  	[tilespmem:s3], [sflag:$0x2] =	stream.linear.gather [hbm4b:s6+s3], $0x3200, $0x38;
	[tilespmem:$0x1DC00] =	vst v63  }
0x10: {  	_ =	swait.ge [sflag:s10], $0x3200  }
0x11: {  	[sflag:s10] =	ssyncset.done $0x0  }
0x12: {  	[sflag:s10] =	ssyncadd.s32 $0xFFFFCE00  }
0x13: {  	[tilespmem:s11], [sflag:$0x2] =	stream.linear.gather [hbm4b:s7+s3], $0x3200, $0x38;
	[tilespmem:$0x1DC00] =	vst v63  }
0x14: {  	_ =	swait.ge [sflag:s10], $0x3200  }
0x15: {  	[sflag:s10] =	ssyncset.done $0x0  }
0x16: {  	[sflag:s10] =	ssyncadd.s32 $0xFFFFCE00  }
0x17: {  	[spmem:s13], [sflag:s12] =	dma.local [hbm:s5], $0x2800  }
0x18: {  	_ =	swait.ge [sflag:s10], $0x2800  }
0x19: {  	[sflag:s10] =	ssyncset.done $0x0  }
0x1a: {  	[sflag:s10] =	ssyncadd.s32 $0xFFFFD800  }
0x1b: {  	s18 =	simm.s32 $0x0;
	[bflag:$0x0] =	sbarrier.arrive $0xFFFF  }
0x1c: {  	[tilespmem:s15], [sflag:$0x1] =	stream.indirect.gather [hbm4b:s4+s14], $0x80, s18, s14, $0xb8;
	[tilespmem:$0x1DC00] =	vst v63  }
0x1d: {  	_ =	swait.ge [sflag:s16], $0x3200  }
0x1e: {  	[sflag:s16] =	ssyncset.done $0x0  }
0x1f: {  	s31 =	simm.s32 $0x3400;
	[sflag:s16] =	ssyncadd.s32 $0xFFFFCE00  }
0x20: {  	[spmem:s2] =	stream.indirect.scatter.add.f32 [tilespmem:s15], [sflag:$0x2], $0x80, s31, s14, $0xb8;
	[tilespmem:$0x1DC00] =	vst v63  }
0x21: {  	_ =	swait.ge [sflag:s10], $0x3200  }
0x22: {  	s19 =	simm.s32 $0x400;
	s18 =	simm.s32 $0x200;
	[sflag:s10] =	ssyncset.done $0x0  }
.LBB2_2:
0x23: {  	s20 =	sshra.s32 s18, $0x2  }
0x24: {  	[sflag:s10] =	ssyncadd.s32 $0xFFFFCE00;
	s18 =	smov.u32 s19;
	s21 =	sadd.s32 $0x200, s19  }
0x25: {  	[tilespmem:s15], [sflag:$0x1] =	stream.indirect.gather [hbm4b:s4+s14], $0x80, s20, s14, $0xb8;
	[tilespmem:$0x1DC00] =	vst v63  }
0x26: {  	p0 =	sne.s32 s19, $0xC600;
	_ =	swait.ge [sflag:s16], $0x3200  }
.Ltmp0:
0x27: {  	[sflag:s16] =	ssyncset.done $0x0;
	(pc) =	sbr.rel @p0 .LBB2_2-.Ltmp0, $4  }
0x28: {  	s19 =	sadd.s32 $0x3400, s20;
	[sflag:s16] =	ssyncadd.s32 $0xFFFFCE00  }
0x29: {  	[spmem:s2] =	stream.indirect.scatter.add.f32 [tilespmem:s15], [sflag:$0x2], $0x80, s19, s14, $0xb8;
	[tilespmem:$0x1DC00] =	vst v63  }
0x2a: {  	_ =	swait.ge [sflag:s10], $0x3200  }
0x2b: {  	s19 =	smov.u32 s21;
	[sflag:s10] =	ssyncset.done $0x0  }
0x2c: {  	s18 =	sshra.s32 s18, $0x2;
	[sflag:s10] =	ssyncadd.s32 $0xFFFFCE00  }
0x2d: {  	[tilespmem:s15], [sflag:$0x1] =	stream.indirect.gather [hbm4b:s4+s14], $0x80, s18, s14, $0xb8;
	[tilespmem:$0x1DC00] =	vst v63  }
0x2e: {  	_ =	swait.ge [sflag:s16], $0x3200  }
0x2f: {  	[sflag:s16] =	ssyncset.done $0x0  }
0x30: {  	s18 =	sadd.s32 $0x3400, s18;
	[sflag:s16] =	ssyncadd.s32 $0xFFFFCE00  }
0x31: {  	[spmem:s2] =	stream.indirect.scatter.add.f32 [tilespmem:s15], [sflag:$0x2], $0x80, s18, s14, $0xb8;
	[tilespmem:$0x1DC00] =	vst v63  }
0x32: {  	_ =	swait.ge [sflag:s10], $0x3200  }
0x33: {  	s17 =	sadd.s32 $0x1, s17;
	[sflag:s10] =	ssyncset.done $0x0  }
0x34: {  	p0 =	sne.s32 s17, s9;
	[sflag:s10] =	ssyncadd.s32 $0xFFFFCE00  }
.Ltmp1:
0x35: {  	[bflag:$0x0] =	sbarrier.arrive $0xFFFF;
	(pc) =	sbr.rel @p0 .LBB2_1-.Ltmp1, $4  }
0x36: {  	[hbm:s8], [sflag:s12] =	dma.local [spmem:s13], $0x2800  }
0x37: {  	_ =	swait.ge [sflag:s10], $0x2800  }
0x38: {  	[sflag:s10] =	ssyncset.done $0x0  }
0x39: {  	[sflag:s10] =	ssyncadd.s32 $0xFFFFD800  }
0x3a: {  	_ =	sfence.sel $0x180000  }
0x3b: {  	[bflag:$0x0] =	sbarrier.arrive $0xFFFF  }
0x3c: {  	p0 =	sne.s32 s0, $0x0;
	_ =	strace $0x9000004D  }
0x3d: {  	s0 =	sadd.s32 @!p0 $0x100000, s1;
	[bflag:$0x2] =	sbarrier.arrive $0xFFFF  }
0x3e: {  	[sflag:s0] =	ssyncadd.tile.s32 @!p0 $0x1;
	_ =	shalt  }
.Lfunc_end2:
_tile_overlayer_lowered:
.L_overlay_start_2:
0x3f: {  	(tag) =	ssettag $0x2  }
0x40: {  	s0 =	rddreg [dreg:$0x0];
	s2 =	stileid.u32  }
0x41: {  	s1 =	rddreg [dreg:$0x1];
	p0 =	sne.s32 s2, $0x0  }
0x42: {  	s3 =	rddreg [dreg:$0x2];
	[bflag:$0x3] =	sbarrier.arrive $0xFFFF;
	s2 =	simm.s32 @!p0 $0x1C02  }
0x43: {  	[timem:s3], [sflag:s2] =	dma.local @!p0 [hbm:s0], s1  }
0x44: {  	s0 =	simm.s32 @!p0 $0x2  }
0x45: {  	_ =	swait.ge @!p0 [sflag:s0], s1  }
0x46: {  	s1 =	ssub.s32 @!p0 $0x0, s1;
	[sflag:s0] =	ssyncset.done @!p0 $0x0  }
0x47: {  	[sflag:s0] =	ssyncadd.s32 @!p0 s1  }
0x48: {  	[bflag:$0x3] =	sbarrier.arrive $0xFFFF  }
0x49: {  	_ =	shalt  }

// kernel: kernel.19.cloned.1.call-start
scs
__scs_entry_jumppad:
0x0: {  	(pc) =	sbr.rel $0x88, $3  }
0x1: {  	(tag) =	ssettag $0x0;
	lr =	simm.s32 $0x1  }
0x2: {  	[smem:$0x3F8D] =	sst lr;
	_ =	strace $0xD0000000  }
0x3: {  	_ = 	snop  }
0x4: {  	_ = 	snop  }
0x5: {  	_ = 	snop  }
0x6: {  	_ = 	snop  }
0x7: {  	_ = 	snop  }
__scs_overlays_trampoline_lowered:
0x8: {  	[smem:$0x3F9C] =	sst s0  }
0x9: {  	[smem:$0x3F9D] =	sst s1  }
0xa: {  	[smem:$0x3F9E] =	sst s2  }
0xb: {  	[smem:$0x3F9F] =	sst s3  }
0xc: {  	[smem:$0x3FA0] =	sst s4  }
0xd: {  	[smem:$0x3FA1] =	sst s5  }
0xe: {  	[smem:$0x3FA2] =	sst s6  }
0xf: {  	[smem:$0x3FA3] =	sst s7  }
0x10: {  	[smem:$0x3FA4] =	sst s8  }
0x11: {  	[smem:$0x3FA5] =	sst s9;
	s0 =	simm.s32 @!p0 $0x0  }
0x12: {  	s1 =	sld [smem:$0x3F8B];
	s0 =	simm.s32 @p0 $0x1  }
0x13: {  	[smem:$0x3FA6] =	sst s0;
	s0 =	simm.s32 @!p1 $0x0  }
0x14: {  	s2 =	sld [smem:$0x3F8A];
	s0 =	simm.s32 @p1 $0x1  }
0x15: {  	[smem:$0x3FA7] =	sst s0;
	s0 =	simm.s32 @!p2 $0x0  }
0x16: {  	s3 =	sld [smem:$0x3FDB];
	s0 =	simm.s32 @p2 $0x1  }
0x17: {  	s4 =	simm.s32 $0x1BF5;
	[smem:$0x3FA9] =	sst s0  }
0x18: {  	s0 =	sld [smem:$0x3F8C];
	_ =	swait.ge [sflag:s4], $0x0  }
0x19: {  	s7 =	sld [smem:$0x3F8D]  }
0x1a: {  	s8 =	sadd.s32 $0xFFFFE003, lr  }
0x1b: {  	s9 =	sadd.s32 $0xFFFFFEF7, lr;
	s5 =	simm.s32 $0xFFFFFFFF;
	p2 =	slt.u32 s8, $0xFFFFF086  }
0x1c: {  	p1 =	slt.u32 s9, $0xF7A;
	s5 =	simm.s32 @!p2 $0x0  }
0x1d: {  	s5 =	simm.s32 @p1 $0x1;
	p0 =	seq.s32 s7, s2  }
0x1e: {  	s7 =	smul.u32 @!p0 $0xF7A, s2;
	p2 =	seq.s32 @!p0 s5, $0x0  }
0x1f: {  	s9 =	smul.u32 $0xF7A, s1;
	s8 =	simm.s32 @!p0 $0x1BF5;
	p2 =	por !p2, p0  }
0x20: {  	[sflag:s8] =	ssyncset.s32 @!p0 $0xFFFFF086;
	s6 =	sadd.s32 @!p0 s3, s7;
	s7 =	simm.s32 @!p0 $0x108  }
0x21: {  	s3 =	sadd.s32 s3, s9;
	s6 =	sadd.s32 @!p0 $0x88, s6;
	s7 =	simm.s32 @p2 $0x1082  }
0x22: {  	[simem:s7], [sflag:s8] =	dma.local @!p0 [hbm:s6], $0xF7A  }
0x23: {  	s9 =	sor.u32 $0xD0000000, s2;
	s6 =	simm.s32 $0x108;
	_ =	swait.ge @!p0 [sflag:s8], $0x0  }
0x24: {  	s3 =	sadd.s32 $0x88, s3;
	s6 =	simm.s32 @!p1 $0x1082;
	[sflag:s4] =	ssyncset.s32 $0xFFFFF086  }
0x25: {  	[simem:s6], [sflag:s4] =	dma.local [hbm:s3], $0xF7A  }
0x26: {  	[smem:$0x3F8D] =	sst s1;
	(tag) =	ssettag s2;
	_ =	strace s9  }
0x27: {  	s1 =	sld [smem:$0x3F9D]  }
0x28: {  	s2 =	sld [smem:$0x3F9E]  }
0x29: {  	s4 =	sld [smem:$0x3FA0]  }
0x2a: {  	p0 =	seq.s32 s5, $0x0;
	s5 =	sld [smem:$0x3FA1]  }
0x2b: {  	s6 =	sld [smem:$0x3FA2]  }
0x2c: {  	s7 =	sld [smem:$0x3FA3]  }
0x2d: {  	s3 =	simm.s32 $0x108;
	s8 =	sld [smem:$0x3FA4]  }
0x2e: {  	s3 =	simm.s32 @!p0 $0x1082;
	s9 =	sld [smem:$0x3FA5]  }
0x2f: {  	lr =	sadd.s32 s0, s3;
	s0 =	sld [smem:$0x3F9C]  }
0x30: {  	s3 =	sld [smem:$0x3F9F]  }
0x31: {  	[smem:$0x3FA8] =	sst s10  }
0x32: {  	s10 =	sld [smem:$0x3FA6];
	_ =	sdelay $0x3  }
0x33: {  	p0 =	seq.s32 s10, $0x1;
	s10 =	sld [smem:$0x3FA8];
	_ =	sdelay $0x3  }
0x34: {  	[smem:$0x3FA8] =	sst s10  }
0x35: {  	s10 =	sld [smem:$0x3FA7];
	_ =	sdelay $0x3  }
0x36: {  	p1 =	seq.s32 s10, $0x1;
	s10 =	sld [smem:$0x3FA8];
	_ =	sdelay $0x3  }
0x37: {  	[smem:$0x3FA8] =	sst s10  }
0x38: {  	s10 =	sld [smem:$0x3FA9]  }
0x39: {  	_ = 	snop;
	(pc) =	sbr.ind lr, $3  }
0x3a: {  	_ = 	snop  }
0x3b: {  	_ = 	snop  }
0x3c: {  	p2 =	seq.s32 s10, $0x1;
	s10 =	sld [smem:$0x3FA8]  }
0x3d: {  	_ =	shalt  }
0x3e: {  	_ =	shalt  }
0x3f: {  	_ =	shalt  }
0x40: {  	_ =	shalt  }
0x41: {  	_ =	shalt  }
0x42: {  	_ =	shalt  }
0x43: {  	_ =	shalt  }
0x44: {  	_ =	shalt  }
0x45: {  	_ =	shalt  }
0x46: {  	_ =	shalt  }
0x47: {  	_ =	shalt  }
0x48: {  	_ =	shalt  }
0x49: {  	_ =	shalt  }
0x4a: {  	_ =	shalt  }
0x4b: {  	_ =	shalt  }
0x4c: {  	_ =	shalt  }
0x4d: {  	_ =	shalt  }
0x4e: {  	_ =	shalt  }
0x4f: {  	_ =	shalt  }
0x50: {  	_ =	shalt  }
0x51: {  	_ =	shalt  }
0x52: {  	_ =	shalt  }
0x53: {  	_ =	shalt  }
0x54: {  	_ =	shalt  }
0x55: {  	_ =	shalt  }
0x56: {  	_ =	shalt  }
0x57: {  	_ =	shalt  }
0x58: {  	_ =	shalt  }
0x59: {  	_ =	shalt  }
0x5a: {  	_ =	shalt  }
0x5b: {  	_ =	shalt  }
0x5c: {  	_ =	shalt  }
0x5d: {  	_ =	shalt  }
0x5e: {  	_ =	shalt  }
0x5f: {  	_ =	shalt  }
0x60: {  	_ =	shalt  }
0x61: {  	_ =	shalt  }
0x62: {  	_ =	shalt  }
0x63: {  	_ =	shalt  }
0x64: {  	_ =	shalt  }
0x65: {  	_ =	shalt  }
0x66: {  	_ =	shalt  }
0x67: {  	_ =	shalt  }
0x68: {  	_ =	shalt  }
0x69: {  	_ =	shalt  }
0x6a: {  	_ =	shalt  }
0x6b: {  	_ =	shalt  }
0x6c: {  	_ =	shalt  }
0x6d: {  	_ =	shalt  }
0x6e: {  	_ =	shalt  }
0x6f: {  	_ =	shalt  }
0x70: {  	_ =	shalt  }
0x71: {  	_ =	shalt  }
0x72: {  	_ =	shalt  }
0x73: {  	_ =	shalt  }
0x74: {  	_ =	shalt  }
0x75: {  	_ =	shalt  }
0x76: {  	_ =	shalt  }
0x77: {  	_ =	shalt  }
0x78: {  	_ =	shalt  }
0x79: {  	_ =	shalt  }
0x7a: {  	_ =	shalt  }
0x7b: {  	_ =	shalt  }
0x7c: {  	_ =	shalt  }
0x7d: {  	_ =	shalt  }
0x7e: {  	_ =	shalt  }
0x7f: {  	_ =	shalt  }
0x80: {  	_ =	shalt  }
0x81: {  	_ =	shalt  }
0x82: {  	_ =	shalt  }
0x83: {  	_ =	shalt  }
0x84: {  	_ =	shalt  }
0x85: {  	_ =	shalt  }
0x86: {  	_ =	shalt  }
0x87: {  	_ =	shalt  }
.Lfunc_end0:
.L_simem_size_0:
called_computation.3_lowered:
.L_overlay_start_0:
0x88: {  	s2 =	sld [smem:$0x3FD9]  }
0x89: {  	s3 =	sld [smem:$0x3FFE];
	_ =	sdelay $0x1  }
0x8a: {  	s1 =	srdreg.scid  }
0x8b: {  	s0 =	sand.u32 $0x1, s1  }
0x8c: {  	s16 =	sshll.u32 s0, $0xA;
	s2 =	sadd.s32 s3, s2  }
0x8d: {  	s2 =	sadd.s32 s2, s16  }
0x8e: {  	[smem:$0x3FB4] =	sst s2  }
0x8f: {  	_ = 	snop  }
0x90: {  	(tm) =	ssettm $0x1  }
0x91: {  	s17 =	sld [smem:$0x3FFB];
	_ =	sdelay $0x3  }
0x92: {  	_ =	strace s17  }
0x93: {  	s2 =	sld [smem:$0x3FFC];
	_ =	sdelay $0x3  }
0x94: {  	_ =	strace s2  }
0x95: {  	s2 =	sld [smem:$0x3FFD];
	_ =	sdelay $0x3  }
0x96: {  	_ =	strace s2  }
0x97: {  	_ =	strace $0x8FFFFFFF  }
0x98: {  	s18 =	sld [smem:$0x3FDB];
	_ =	sdelay $0x1  }
0x99: {  	s19 =	simm.s32 $_scs_section_size  }
0x9a: {  	s4 =	simm.s32 $_size__tile_overlayer_lowered;
	s5 =	simm.s32 $_tile_overlayer_lowered  }
0x9b: {  	s22 =	simm.s32 $0x1BFF;
	s21 =	sshll.u32 s5, $0x1;
	s2 =	sadd.s32 s19, s18  }
0x9c: {  	s6 =	simm.s32 $0x0;
	s20 =	sshll.u32 s4, $0x1;
	s4 =	sadd.s32 s21, s2  }
0x9d: {  	[timem:s6], [sflag:s22] =	dma.local [hbm:s4], s20  }
0x9e: {  	_ =	swait.ge [sflag:s22], s20  }
0x9f: {  	s3 =	ssub.s32 $0x0, s20;
	[sflag:s22] =	ssyncset.done $0x0  }
0xa0: {  	[sflag:s22] =	ssyncadd.s32 s3;
	_ =	sdelay $0x1  }
0xa1: {  	s23 =	simm.s32 $0x1B8B  }
0xa2: {  	_ =	swait.ge [sflag:s23], $0x1  }
0xa3: {  	[sflag:s23] =	ssyncset.done $0x0  }
0xa4: {  	s25 =	simm.s32 $0x1B8E;
	s24 =	sld [smem:$0x3FFE];
	[sflag:s23] =	ssyncadd.s32 $0xFFFFFFFF  }
0xa5: {  	s26 =	simm.s32 $execute0_lowered;
	[smem:$0x3FD2] =	sst s25  }
0xa6: {  	s4 =	sshll.u32 s26, $0x1;
	_ =	strace $0x8000004F;
	[dreg:$0x1] =	wrdreg $0xFFFFFFFF  }
0xa7: {  	s28 =	simm.s32 $_size_execute0_lowered;
	s2 =	sadd.s32 s2, s4;
	[dreg:$0x0] =	wrdreg $0x0  }
0xa8: {  	s4 =	sshll.u32 s28, $0x1;
	[dreg:$0x2] =	wrdreg s2  }
0xa9: {  	[dreg:$0x3] =	wrdreg s4  }
0xaa: {  	[dreg:$0x4] =	wrdreg $0xC0  }
0xab: {  	_ =	task [dreg:s6], $0x5FFFF  }
0xac: {  	[dreg:$0x1] =	wrdreg $0xFFFFFFFF  }
0xad: {  	[dreg:$0x0] =	wrdreg $0x60  }
0xae: {  	[dreg:$0x2] =	wrdreg s24  }
0xaf: {  	[dreg:$0x3] =	wrdreg $0x9  }
0xb0: {  	_ =	task.clear_ibuf [dreg:s6], $0x4FFFF;
	_ =	strace $0x9000004F  }
0xb1: {  	s29 =	simm.s32 $0x9;
	_ =	strace $0x80000051  }
0xb2: {  	_ =	swait.ge [sflag:s29], $0x1  }
0xb3: {  	[sflag:s29] =	ssyncadd.s32 $0xFFFFFFFF  }
0xb4: {  	_ =	strace $0x90000051  }
0xb5: {  	_ =	sfence  }
0xb6: {  	s30 =	sld [smem:$0x0];
	_ =	sdelay $0x2  }
0xb7: {  	s31 =	sshll.u32 s1, $0xD;
	s1 =	sshrl.u32 s1, $0x2  }
0xb8: {  	s3 =	sand.u32 $0x4000, s31;
	s1 =	sadd.s32 s1, s30  }
0xb9: {  	s0 =	sor.u32 s3, s0;
	s1 =	sshll.u32 s1, $0x11  }
0xba: {  	s0 =	sor.u32 s1, s0  }
0xbb: {  	s0 =	sadd.s32 $0x8F2B, s0  }
0xbc: {  	[sflag:s0] =	ssyncadd.remote.s32 $0x1  }
0xbd: {  	_ =	sfence.sel $0xFFFF  }
0xbe: {  	[dreg:$0x0] =	wrdreg $0xFFFFFFFF;
	(pc) =	sbr.abs _section_cstart, $3  }
0xbf: {  	[dreg:$0x1] =	wrdreg $0xFFFFFFFF  }
0xc0: {  	_ =	task.clear_ibuf [dreg:s6], $0x2FFFF;
	_ =	strace $0x9FFFFFFF  }
0xc1: {  	(tm) =	ssettm $0x7FFFFFFF  }
tec
execute0_lowered:
.L_overlay_start_1:
0x0: {  	(tag) =	ssettag $0x1  }
0x1: {  	s0 =	srdreg.scid  }
0x2: {  	s9 =	rddreg [dreg:$0x0];
	s7 =	simm.s32 $0x80;
	s6 =	sand.u32 $0x1, s0  }
0x3: {  	s8 =	simm.s32 $0x1;
	s0 =	stileid.u32;
	s1 =	sshll.u32 s6, $0x4  }
0x4: {  	s5 =	sadd.s32 $0x3C00, s9;
	s2 =	sshll.u32 s0, $0x4;
	s10 =	sor.u32 s0, s1  }
0x5: {  	s1 =	rddreg [dreg:$0x1];
	s3 =	sand.u32 $0x70, s2;
	s4 =	sshll.u32 s10, $0x4  }
0x6: {  	s2 =	simm.s32 $0x0;
	s3 =	sadd.s32 s3, s9;
	s4 =	sand.u32 $0x180, s4  }
0x7: {  	s11 =	ssub.s32 $0x2, s6;
	[smem:$0x7FF] =	sst s2;
	s3 =	sadd.s32 s4, s3  }
0x8: {  	_ =	strace $0x80000050;
	s4 =	sadd.s32 $0x97600, s3;
	s3 =	simm.s32 $0x2  }
0x9: {  	[tilespmem:s2], [sflag:$0x2] =	stream.linear.gather [hbm4b:s4+s2], $0x80, $0x38;
	[tilespmem:$0x2080] =	vst v63  }
0xa: {  	s6 =	simm.s32 $0x40;
	s12 =	sshrl.u32 s11, $0x1;
	_ =	swait.ge [sflag:s3], $0x80  }
0xb: {  	s10 =	sshll.u32 s10, $0xA;
	s31 =	ssub.s32 s11, s12;
	[sflag:s3] =	ssyncset.done $0x0  }
0xc: {  	s9 =	sadd.s32 s10, s9;
	s10 =	smax.u32 s31, $0x1;
	[sflag:s3] =	ssyncadd.s32 $0xFFFFFF80  }
0xd: {  	[tilespmem:s7], [sflag:$0x1] =	stream.indirect.gather [hbm4b:s5+s6], $0x80, s2, s6, $0xb8;
	[tilespmem:$0x2080] =	vst v63  }
0xe: {  	p0 =	sne.s32 s10, $0x1;
	_ =	swait.ge [sflag:s8], $0x2000  }
.Ltmp0:
0xf: {  	[sflag:s8] =	ssyncset.done $0x0;
	(pc) =	sbr.rel @!p0 .LBB2_2-.Ltmp0, $4  }
0x10: {  	s9 =	sadd.s32 $0x2AE00, s9;
	[sflag:s8] =	ssyncadd.s32 $0xFFFFE000  }
0x11: {  	[hbm4b:s9+s2] =	stream.linear.scatter [tilespmem:s7], [sflag:$0x2], $0x2000, $0x38;
	[tilespmem:$0x2080] =	vst v63  }
0x12: {  	_ =	swait.ge [sflag:s3], $0x2000  }
0x13: {  	s10 =	sadd.s32 $0xFFFFFFFF, s10;
	[sflag:s3] =	ssyncset.done $0x0  }
.LBB2_1:
0x14: {  	p0 =	sne.s32 s10, $0x1;
	s10 =	sadd.s32 $0xFFFFFFFF, s10;
	[sflag:s3] =	ssyncadd.s32 $0xFFFFE000  }
0x15: {  	[tilespmem:s2], [sflag:$0x2] =	stream.linear.gather [hbm4b:s4+s2], $0x80, $0x38;
	[tilespmem:$0x2080] =	vst v63  }
0x16: {  	_ =	swait.ge [sflag:s3], $0x80  }
0x17: {  	[sflag:s3] =	ssyncset.done $0x0  }
0x18: {  	[sflag:s3] =	ssyncadd.s32 $0xFFFFFF80  }
0x19: {  	[tilespmem:s7], [sflag:$0x1] =	stream.indirect.gather [hbm4b:s5+s6], $0x80, s2, s6, $0xb8;
	[tilespmem:$0x2080] =	vst v63  }
0x1a: {  	_ =	swait.ge [sflag:s8], $0x2000  }
.Ltmp1:
0x1b: {  	[sflag:s8] =	ssyncset.done $0x0;
	(pc) =	sbr.rel @p0 .LBB2_1-.Ltmp1, $4  }
0x1c: {  	[sflag:s8] =	ssyncadd.s32 $0xFFFFE000  }
0x1d: {  	[hbm4b:s9+s2] =	stream.linear.scatter [tilespmem:s7], [sflag:$0x2], $0x2000, $0x38;
	[tilespmem:$0x2080] =	vst v63  }
0x1e: {  	_ =	swait.ge [sflag:s3], $0x2000  }
0x1f: {  	[sflag:s3] =	ssyncset.done $0x0  }
.LBB2_2:
0x20: {  	[sflag:s3] =	ssyncadd.s32 $0xFFFFE000  }
0x21: {  	_ =	sfence.sel $0x180000  }
0x22: {  	[bflag:$0x0] =	sbarrier.arrive $0xFFFF  }
0x23: {  	p0 =	sne.s32 s0, $0x0;
	_ =	strace $0x90000050  }
0x24: {  	s0 =	sadd.s32 @!p0 $0x100000, s1;
	[bflag:$0x2] =	sbarrier.arrive $0xFFFF  }
0x25: {  	[sflag:s0] =	ssyncadd.tile.s32 @!p0 $0x1;
	_ =	shalt  }
.Lfunc_end2:
_tile_overlayer_lowered:
.L_overlay_start_2:
0x26: {  	(tag) =	ssettag $0x2  }
0x27: {  	s0 =	rddreg [dreg:$0x0];
	s2 =	stileid.u32  }
0x28: {  	s1 =	rddreg [dreg:$0x1];
	p0 =	sne.s32 s2, $0x0  }
0x29: {  	s3 =	rddreg [dreg:$0x2];
	[bflag:$0x3] =	sbarrier.arrive $0xFFFF;
	s2 =	simm.s32 @!p0 $0x1C02  }
0x2a: {  	[timem:s3], [sflag:s2] =	dma.local @!p0 [hbm:s0], s1  }
0x2b: {  	s0 =	simm.s32 @!p0 $0x2  }
0x2c: {  	_ =	swait.ge @!p0 [sflag:s0], s1  }
0x2d: {  	s1 =	ssub.s32 @!p0 $0x0, s1;
	[sflag:s0] =	ssyncset.done @!p0 $0x0  }
0x2e: {  	[sflag:s0] =	ssyncadd.s32 @!p0 s1  }
0x2f: {  	[bflag:$0x3] =	sbarrier.arrive $0xFFFF  }
0x30: {  	_ =	shalt  }

</sc_bundles>
